<compile_context>
chip_gen: v7x
topology: tpu7x:2x2x1
jax: 0.10.2.dev20260603
libtpu: 0.0.44.dev20260713+nightly
codegen_flags: <defaults>
</compile_context>

<pallas_src>
import functools

import jax
import jax.numpy as jnp
from jax import lax
from jax.experimental import pallas as pl
from jax.experimental.pallas import tpu as pltpu
from jax.experimental.pallas import tpu_sc as plsc

N = 100000
D = 128
NUM_CORES = 2
NUM_SUBCORES = 16
NUM_WORKERS = NUM_CORES * NUM_SUBCORES
PER_W = 3136
LAST_BASE = N - PER_W
CHUNK = 224
NCHUNK = PER_W // CHUNK
NBUF = 3

_mesh = plsc.VectorSubcoreMesh(core_axis_name="c", subcore_axis_name="s")


@functools.partial(
    pl.kernel,
    mesh=_mesh,
    out_type=jax.ShapeDtypeStruct((N, D), jnp.float32),
    scratch_types=[
        pltpu.VMEM((PER_W,), jnp.int32),
        pltpu.VMEM((NBUF, CHUNK, D), jnp.float32),
        pltpu.VMEM_SHARED((94, D), jnp.float32),
        pltpu.SemaphoreType.DMA,
        pltpu.SemaphoreType.DMA,
        pltpu.SemaphoreType.DMA,
        pltpu.SemaphoreType.DMA,
        pltpu.SemaphoreType.DMA,
        pltpu.SemaphoreType.DMA,
        pltpu.SemaphoreType.DMA,
    ],
)
def _emb_lookup(idx_hbm, table_hbm, out_hbm, idx_v, rows_v, table_sh, isem,
                gsem0, gsem1, gsem2, ssem0, ssem1, ssem2):
    gsems = (gsem0, gsem1, gsem2)
    ssems = (ssem0, ssem1, ssem2)
    sid = lax.axis_index("s")
    wid = sid * NUM_CORES + lax.axis_index("c")
    base = jnp.minimum(wid * PER_W, LAST_BASE)
    @pl.when(sid == 0)
    def _():
        pltpu.sync_copy(table_hbm, table_sh)

    pltpu.async_copy(idx_hbm.at[pl.ds(base, PER_W)], idx_v, isem).wait()
    plsc.subcore_barrier()

    def gather(j):
        return pltpu.async_copy(
            table_sh.at[idx_v.at[pl.ds(j * CHUNK, CHUNK)]],
            rows_v.at[j % NBUF],
            gsems[j % NBUF],
        )

    gathers = {j: gather(j) for j in range(NBUF - 1)}
    stores = {}
    for j in range(NCHUNK):
        jn = j + NBUF - 1
        if jn < NCHUNK:
            if jn >= NBUF:
                stores[jn - NBUF].wait()
            gathers[jn] = gather(jn)
        gathers[j].wait()
        stores[j] = pltpu.async_copy(
            rows_v.at[j % NBUF],
            out_hbm.at[pl.ds(base + j * CHUNK, CHUNK)],
            ssems[j % NBUF],
        )
    for j in range(max(0, NCHUNK - NBUF), NCHUNK):
        stores[j].wait()


def kernel(atomic_numbers, embedding_weight):
    return _emb_lookup(atomic_numbers.astype(jnp.int32), embedding_weight)

# --- scband reference (transcript-rebuilt; emitter-appended) ---
"""Pipeline reference for scband-atom-embedding-81776177316178 (READ-ONLY COPY).

The authoritative reference and input builder live on the scoring server;
editing this copy changes nothing except your own understanding.
"""

import jax, jax.numpy as jnp
import numpy as np

N_ATOMS = 100000
MAX_NUM_ELEMENTS = 94
ATOM_FEATURE_DIM = 128


def setup_inputs(seed: int = 0) -> dict:
    key = jax.random.key(seed)
    k_idx, k_emb = jax.random.split(key)
    atomic_numbers = jax.random.randint(k_idx, (N_ATOMS,), 0, MAX_NUM_ELEMENTS, dtype=jnp.int64 if jax.config.jax_enable_x64 else jnp.int32)
    # nn.Embedding default init: N(0, 1)
    embedding_weight = jax.random.normal(k_emb, (MAX_NUM_ELEMENTS, ATOM_FEATURE_DIM), dtype=jnp.float32)
    return {"atomic_numbers": atomic_numbers, "embedding_weight": embedding_weight}


def reference(atomic_numbers, embedding_weight):
    # Faithful translation of nn.Embedding lookup: atom_fea = embedding(atomic_numbers)
    return jnp.take(embedding_weight, atomic_numbers, axis=0)

if __name__ == "__main__":
    import jax
    _d = setup_inputs()
    print(jax.jit(kernel)(*tuple(_d.values())))

</pallas_src>

<mosaic_0001>
#map = affine_map<(d0, d1) -> (0)>
#map1 = affine_map<(d0, d1) -> (0, 0)>
module attributes {stable_mosaic.version = 14 : i64} {
  func.func @_emb_lookup(%arg0: i32, %arg1: i32, %arg2: memref<100000xi32, #tpu.memory_space<hbm>>, %arg3: memref<94x128xf32, #tpu.memory_space<hbm>>, %arg4: memref<100000x128xf32, #tpu.memory_space<hbm>>, %arg5: memref<3136xi32, #tpu.memory_space<vmem>>, %arg6: memref<3x224x128xf32, #tpu.memory_space<vmem>>, %arg7: memref<94x128xf32, #tpu.memory_space<vmem_shared>>, %arg8: memref<!tpu.dma_semaphore, #tpu.memory_space<semaphore_mem>>, %arg9: memref<!tpu.dma_semaphore, #tpu.memory_space<semaphore_mem>>, %arg10: memref<!tpu.dma_semaphore, #tpu.memory_space<semaphore_mem>>, %arg11: memref<!tpu.dma_semaphore, #tpu.memory_space<semaphore_mem>>, %arg12: memref<!tpu.dma_semaphore, #tpu.memory_space<semaphore_mem>>, %arg13: memref<!tpu.dma_semaphore, #tpu.memory_space<semaphore_mem>>, %arg14: memref<!tpu.dma_semaphore, #tpu.memory_space<semaphore_mem>>) attributes {dimension_semantics = [#tpu.dimension_semantics<core_parallel>, #tpu.dimension_semantics<subcore_parallel>], iteration_bounds = array<i64: 2, 16>, scalar_prefetch = 0 : i64, scratch_operands = 10 : i64, tpu.core_type = #tpu.core_type<sc_vector_subcore>, window_params = [{transform_indices = #map}, {transform_indices = #map1}, {transform_indices = #map1}]} {
    %mul3A = arith.constant 2 : i32
    %mul3A_0 = arith.muli %arg1, %mul3A : i32
    %add3A = arith.addi %mul3A_0, %arg0 : i32
    %mul3A_1 = arith.constant 3136 : i32
    %mul3A_2 = arith.muli %add3A, %mul3A_1 : i32
    %min3A = arith.constant 96864 : i32
    %min3A_3 = arith.minsi %mul3A_2, %min3A : i32
    %eq3A = arith.constant 0 : i32
    %eq3A_4 = arith.cmpi eq, %arg1, %eq3A : i32
    %convert_element_type3A = arith.extui %eq3A_4 : i1 to i32
    %cond3A = arith.constant 0 : i32
    %cond3A_5 = arith.cmpi ne, %convert_element_type3A, %cond3A : i32
    scf.if %cond3A_5 {
      "tpu.region"() ({
        %run_scoped3A = tpu.sem_alloc : memref<!tpu.dma_semaphore, #tpu.memory_space<semaphore_mem>>
        tpu.enqueue_dma source(%arg3 : memref<94x128xf32, #tpu.memory_space<hbm>>) target(%arg7 : memref<94x128xf32, #tpu.memory_space<vmem_shared>>) target_semaphore(%run_scoped3A : memref<!tpu.dma_semaphore, #tpu.memory_space<semaphore_mem>>)
        tpu.wait_dma2 semaphore(%run_scoped3A : memref<!tpu.dma_semaphore, #tpu.memory_space<semaphore_mem>>) src(%arg3 : memref<94x128xf32, #tpu.memory_space<hbm>>) dst(%arg7 : memref<94x128xf32, #tpu.memory_space<vmem_shared>>)
        tpu.yield
      }) : () -> ()
    } else {
    }
    %dma_start3A = tpu.memref_slice %arg2[%min3A_3] : memref<100000xi32, #tpu.memory_space<hbm>> -> memref<3136xi32, #tpu.memory_space<hbm>>
    %dma_start3A_6 = tpu.memref_slice %arg2[%min3A_3] : memref<100000xi32, #tpu.memory_space<hbm>> -> memref<3136xi32, #tpu.memory_space<hbm>>
    tpu.enqueue_dma source(%dma_start3A_6 : memref<3136xi32, #tpu.memory_space<hbm>>) target(%arg5 : memref<3136xi32, #tpu.memory_space<vmem>>) target_semaphore(%arg8 : memref<!tpu.dma_semaphore, #tpu.memory_space<semaphore_mem>>)
    %dma_wait3A = tpu.memref_slice %arg2[%min3A_3] : memref<100000xi32, #tpu.memory_space<hbm>> -> memref<3136xi32, #tpu.memory_space<hbm>>
    %dma_wait3A_7 = tpu.memref_slice %arg2[%min3A_3] : memref<100000xi32, #tpu.memory_space<hbm>> -> memref<3136xi32, #tpu.memory_space<hbm>>
    tpu.wait_dma2 semaphore(%arg8 : memref<!tpu.dma_semaphore, #tpu.memory_space<semaphore_mem>>) src(%dma_wait3A_7 : memref<3136xi32, #tpu.memory_space<hbm>>) dst(%arg5 : memref<3136xi32, #tpu.memory_space<vmem>>)
    %barrier3A = arith.constant 0 : index
    tpu.barrier barrier_id(%barrier3A)
    %dma_start3A_8 = arith.constant 0 : i32
    %dma_start3A_9 = arith.constant 0 : i32
    %dma_start3A_10 = arith.constant 0 : i32
    %dma_start3A_11 = tpu.memref_slice %arg6[%dma_start3A_8, %dma_start3A_9, %dma_start3A_10] : memref<3x224x128xf32, #tpu.memory_space<vmem>> -> memref<1x224x128xf32, #tpu.memory_space<vmem>>
    %dma_start3A_12 = tpu.memref_squeeze %dma_start3A_11 : memref<1x224x128xf32, #tpu.memory_space<vmem>> -> memref<224x128xf32, #tpu.memory_space<vmem>>
    %dma_start3A_13 = arith.constant 0 : i32
    %dma_start3A_14 = tpu.memref_slice %arg5[%dma_start3A_13] : memref<3136xi32, #tpu.memory_space<vmem>> -> memref<224xi32, #tpu.memory_space<vmem>>
    %dma_start3A_15 = arith.constant 0 : i32
    %dma_start3A_16 = arith.constant 0 : i32
    %dma_start3A_17 = tpu.memref_slice %arg7[%dma_start3A_15, %dma_start3A_16] : memref<94x128xf32, #tpu.memory_space<vmem_shared>> -> memref<94x128xf32, #tpu.memory_space<vmem_shared>>
    tpu.enqueue_indirect_dma source(%dma_start3A_17 : memref<94x128xf32, #tpu.memory_space<vmem_shared>>) target(%dma_start3A_12 : memref<224x128xf32, #tpu.memory_space<vmem>>) offsets(%dma_start3A_14 : memref<224xi32, #tpu.memory_space<vmem>>) semaphore(%arg9 : memref<!tpu.dma_semaphore, #tpu.memory_space<semaphore_mem>>)
    %dma_start3A_18 = arith.constant 1 : i32
    %dma_start3A_19 = arith.constant 0 : i32
    %dma_start3A_20 = arith.constant 0 : i32
    %dma_start3A_21 = tpu.memref_slice %arg6[%dma_start3A_18, %dma_start3A_19, %dma_start3A_20] : memref<3x224x128xf32, #tpu.memory_space<vmem>> -> memref<1x224x128xf32, #tpu.memory_space<vmem>>
    %dma_start3A_22 = tpu.memref_squeeze %dma_start3A_21 : memref<1x224x128xf32, #tpu.memory_space<vmem>> -> memref<224x128xf32, #tpu.memory_space<vmem>>
    %dma_start3A_23 = arith.constant 224 : i32
    %dma_start3A_24 = tpu.memref_slice %arg5[%dma_start3A_23] : memref<3136xi32, #tpu.memory_space<vmem>> -> memref<224xi32, #tpu.memory_space<vmem>>
    %dma_start3A_25 = arith.constant 0 : i32
    %dma_start3A_26 = arith.constant 0 : i32
    %dma_start3A_27 = tpu.memref_slice %arg7[%dma_start3A_25, %dma_start3A_26] : memref<94x128xf32, #tpu.memory_space<vmem_shared>> -> memref<94x128xf32, #tpu.memory_space<vmem_shared>>
    tpu.enqueue_indirect_dma source(%dma_start3A_27 : memref<94x128xf32, #tpu.memory_space<vmem_shared>>) target(%dma_start3A_22 : memref<224x128xf32, #tpu.memory_space<vmem>>) offsets(%dma_start3A_24 : memref<224xi32, #tpu.memory_space<vmem>>) semaphore(%arg10 : memref<!tpu.dma_semaphore, #tpu.memory_space<semaphore_mem>>)
    %dma_start3A_28 = arith.constant 2 : i32
    %dma_start3A_29 = arith.constant 0 : i32
    %dma_start3A_30 = arith.constant 0 : i32
    %dma_start3A_31 = tpu.memref_slice %arg6[%dma_start3A_28, %dma_start3A_29, %dma_start3A_30] : memref<3x224x128xf32, #tpu.memory_space<vmem>> -> memref<1x224x128xf32, #tpu.memory_space<vmem>>
    %dma_start3A_32 = tpu.memref_squeeze %dma_start3A_31 : memref<1x224x128xf32, #tpu.memory_space<vmem>> -> memref<224x128xf32, #tpu.memory_space<vmem>>
    %dma_start3A_33 = arith.constant 448 : i32
    %dma_start3A_34 = tpu.memref_slice %arg5[%dma_start3A_33] : memref<3136xi32, #tpu.memory_space<vmem>> -> memref<224xi32, #tpu.memory_space<vmem>>
    %dma_start3A_35 = arith.constant 0 : i32
    %dma_start3A_36 = arith.constant 0 : i32
    %dma_start3A_37 = tpu.memref_slice %arg7[%dma_start3A_35, %dma_start3A_36] : memref<94x128xf32, #tpu.memory_space<vmem_shared>> -> memref<94x128xf32, #tpu.memory_space<vmem_shared>>
    tpu.enqueue_indirect_dma source(%dma_start3A_37 : memref<94x128xf32, #tpu.memory_space<vmem_shared>>) target(%dma_start3A_32 : memref<224x128xf32, #tpu.memory_space<vmem>>) offsets(%dma_start3A_34 : memref<224xi32, #tpu.memory_space<vmem>>) semaphore(%arg11 : memref<!tpu.dma_semaphore, #tpu.memory_space<semaphore_mem>>)
    %dma_wait3A_38 = arith.constant 0 : i32
    %dma_wait3A_39 = arith.constant 0 : i32
    %dma_wait3A_40 = arith.constant 0 : i32
    %dma_wait3A_41 = tpu.memref_slice %arg6[%dma_wait3A_38, %dma_wait3A_39, %dma_wait3A_40] : memref<3x224x128xf32, #tpu.memory_space<vmem>> -> memref<1x224x128xf32, #tpu.memory_space<vmem>>
    %dma_wait3A_42 = tpu.memref_squeeze %dma_wait3A_41 : memref<1x224x128xf32, #tpu.memory_space<vmem>> -> memref<224x128xf32, #tpu.memory_space<vmem>>
    %dma_wait3A_43 = arith.constant 0 : i32
    %dma_wait3A_44 = tpu.memref_slice %arg5[%dma_wait3A_43] : memref<3136xi32, #tpu.memory_space<vmem>> -> memref<224xi32, #tpu.memory_space<vmem>>
    %dma_wait3A_45 = arith.constant 0 : i32
    %dma_wait3A_46 = arith.constant 0 : i32
    %dma_wait3A_47 = tpu.memref_slice %arg7[%dma_wait3A_45, %dma_wait3A_46] : memref<94x128xf32, #tpu.memory_space<vmem_shared>> -> memref<94x128xf32, #tpu.memory_space<vmem_shared>>
    tpu.wait_indirect_dma semaphore(%arg9 : memref<!tpu.dma_semaphore, #tpu.memory_space<semaphore_mem>>) src(%dma_wait3A_47 : memref<94x128xf32, #tpu.memory_space<vmem_shared>>) dst(%dma_wait3A_42 : memref<224x128xf32, #tpu.memory_space<vmem>>)
    %add3A_48 = arith.constant 0 : i32
    %add3A_49 = arith.addi %min3A_3, %add3A_48 : i32
    %dma_start3A_50 = arith.constant 0 : i32
    %dma_start3A_51 = arith.constant 0 : i32
    %dma_start3A_52 = arith.constant 0 : i32
    %dma_start3A_53 = tpu.memref_slice %arg6[%dma_start3A_50, %dma_start3A_51, %dma_start3A_52] : memref<3x224x128xf32, #tpu.memory_space<vmem>> -> memref<1x224x128xf32, #tpu.memory_space<vmem>>
    %dma_start3A_54 = tpu.memref_squeeze %dma_start3A_53 : memref<1x224x128xf32, #tpu.memory_space<vmem>> -> memref<224x128xf32, #tpu.memory_space<vmem>>
    %dma_start3A_55 = arith.constant 0 : i32
    %dma_start3A_56 = tpu.memref_slice %arg4[%add3A_49, %dma_start3A_55] : memref<100000x128xf32, #tpu.memory_space<hbm>> -> memref<224x128xf32, #tpu.memory_space<hbm>>
    %dma_start3A_57 = arith.constant 0 : i32
    %dma_start3A_58 = tpu.memref_slice %arg4[%add3A_49, %dma_start3A_57] : memref<100000x128xf32, #tpu.memory_space<hbm>> -> memref<224x128xf32, #tpu.memory_space<hbm>>
    %dma_start3A_59 = arith.constant 0 : i32
    %dma_start3A_60 = arith.constant 0 : i32
    %dma_start3A_61 = tpu.memref_slice %arg6[%dma_start3A_50, %dma_start3A_59, %dma_start3A_60] : memref<3x224x128xf32, #tpu.memory_space<vmem>> -> memref<1x224x128xf32, #tpu.memory_space<vmem>>
    %dma_start3A_62 = tpu.memref_squeeze %dma_start3A_61 : memref<1x224x128xf32, #tpu.memory_space<vmem>> -> memref<224x128xf32, #tpu.memory_space<vmem>>
    tpu.enqueue_dma source(%dma_start3A_62 : memref<224x128xf32, #tpu.memory_space<vmem>>) target(%dma_start3A_58 : memref<224x128xf32, #tpu.memory_space<hbm>>) target_semaphore(%arg12 : memref<!tpu.dma_semaphore, #tpu.memory_space<semaphore_mem>>)
    %dma_wait3A_63 = arith.constant 0 : i32
    %dma_wait3A_64 = arith.constant 0 : i32
    %dma_wait3A_65 = arith.constant 0 : i32
    %dma_wait3A_66 = tpu.memref_slice %arg6[%dma_wait3A_63, %dma_wait3A_64, %dma_wait3A_65] : memref<3x224x128xf32, #tpu.memory_space<vmem>> -> memref<1x224x128xf32, #tpu.memory_space<vmem>>
    %dma_wait3A_67 = tpu.memref_squeeze %dma_wait3A_66 : memref<1x224x128xf32, #tpu.memory_space<vmem>> -> memref<224x128xf32, #tpu.memory_space<vmem>>
    %dma_wait3A_68 = arith.constant 0 : i32
    %dma_wait3A_69 = tpu.memref_slice %arg4[%add3A_49, %dma_wait3A_68] : memref<100000x128xf32, #tpu.memory_space<hbm>> -> memref<224x128xf32, #tpu.memory_space<hbm>>
    %dma_wait3A_70 = arith.constant 0 : i32
    %dma_wait3A_71 = tpu.memref_slice %arg4[%add3A_49, %dma_wait3A_70] : memref<100000x128xf32, #tpu.memory_space<hbm>> -> memref<224x128xf32, #tpu.memory_space<hbm>>
    %dma_wait3A_72 = arith.constant 0 : i32
    %dma_wait3A_73 = arith.constant 0 : i32
    %dma_wait3A_74 = tpu.memref_slice %arg6[%dma_wait3A_63, %dma_wait3A_72, %dma_wait3A_73] : memref<3x224x128xf32, #tpu.memory_space<vmem>> -> memref<1x224x128xf32, #tpu.memory_space<vmem>>
    %dma_wait3A_75 = tpu.memref_squeeze %dma_wait3A_74 : memref<1x224x128xf32, #tpu.memory_space<vmem>> -> memref<224x128xf32, #tpu.memory_space<vmem>>
    tpu.wait_dma2 semaphore(%arg12 : memref<!tpu.dma_semaphore, #tpu.memory_space<semaphore_mem>>) src(%dma_wait3A_75 : memref<224x128xf32, #tpu.memory_space<vmem>>) dst(%dma_wait3A_71 : memref<224x128xf32, #tpu.memory_space<hbm>>)
    %dma_start3A_76 = arith.constant 0 : i32
    %dma_start3A_77 = arith.constant 0 : i32
    %dma_start3A_78 = arith.constant 0 : i32
    %dma_start3A_79 = tpu.memref_slice %arg6[%dma_start3A_76, %dma_start3A_77, %dma_start3A_78] : memref<3x224x128xf32, #tpu.memory_space<vmem>> -> memref<1x224x128xf32, #tpu.memory_space<vmem>>
    %dma_start3A_80 = tpu.memref_squeeze %dma_start3A_79 : memref<1x224x128xf32, #tpu.memory_space<vmem>> -> memref<224x128xf32, #tpu.memory_space<vmem>>
    %dma_start3A_81 = arith.constant 672 : i32
    %dma_start3A_82 = tpu.memref_slice %arg5[%dma_start3A_81] : memref<3136xi32, #tpu.memory_space<vmem>> -> memref<224xi32, #tpu.memory_space<vmem>>
    %dma_start3A_83 = arith.constant 0 : i32
    %dma_start3A_84 = arith.constant 0 : i32
    %dma_start3A_85 = tpu.memref_slice %arg7[%dma_start3A_83, %dma_start3A_84] : memref<94x128xf32, #tpu.memory_space<vmem_shared>> -> memref<94x128xf32, #tpu.memory_space<vmem_shared>>
    tpu.enqueue_indirect_dma source(%dma_start3A_85 : memref<94x128xf32, #tpu.memory_space<vmem_shared>>) target(%dma_start3A_80 : memref<224x128xf32, #tpu.memory_space<vmem>>) offsets(%dma_start3A_82 : memref<224xi32, #tpu.memory_space<vmem>>) semaphore(%arg9 : memref<!tpu.dma_semaphore, #tpu.memory_space<semaphore_mem>>)
    %dma_wait3A_86 = arith.constant 1 : i32
    %dma_wait3A_87 = arith.constant 0 : i32
    %dma_wait3A_88 = arith.constant 0 : i32
    %dma_wait3A_89 = tpu.memref_slice %arg6[%dma_wait3A_86, %dma_wait3A_87, %dma_wait3A_88] : memref<3x224x128xf32, #tpu.memory_space<vmem>> -> memref<1x224x128xf32, #tpu.memory_space<vmem>>
    %dma_wait3A_90 = tpu.memref_squeeze %dma_wait3A_89 : memref<1x224x128xf32, #tpu.memory_space<vmem>> -> memref<224x128xf32, #tpu.memory_space<vmem>>
    %dma_wait3A_91 = arith.constant 224 : i32
    %dma_wait3A_92 = tpu.memref_slice %arg5[%dma_wait3A_91] : memref<3136xi32, #tpu.memory_space<vmem>> -> memref<224xi32, #tpu.memory_space<vmem>>
    %dma_wait3A_93 = arith.constant 0 : i32
    %dma_wait3A_94 = arith.constant 0 : i32
    %dma_wait3A_95 = tpu.memref_slice %arg7[%dma_wait3A_93, %dma_wait3A_94] : memref<94x128xf32, #tpu.memory_space<vmem_shared>> -> memref<94x128xf32, #tpu.memory_space<vmem_shared>>
    tpu.wait_indirect_dma semaphore(%arg10 : memref<!tpu.dma_semaphore, #tpu.memory_space<semaphore_mem>>) src(%dma_wait3A_95 : memref<94x128xf32, #tpu.memory_space<vmem_shared>>) dst(%dma_wait3A_90 : memref<224x128xf32, #tpu.memory_space<vmem>>)
    %add3A_96 = arith.constant 224 : i32
    %add3A_97 = arith.addi %min3A_3, %add3A_96 : i32
    %dma_start3A_98 = arith.constant 1 : i32
    %dma_start3A_99 = arith.constant 0 : i32
    %dma_start3A_100 = arith.constant 0 : i32
    %dma_start3A_101 = tpu.memref_slice %arg6[%dma_start3A_98, %dma_start3A_99, %dma_start3A_100] : memref<3x224x128xf32, #tpu.memory_space<vmem>> -> memref<1x224x128xf32, #tpu.memory_space<vmem>>
    %dma_start3A_102 = tpu.memref_squeeze %dma_start3A_101 : memref<1x224x128xf32, #tpu.memory_space<vmem>> -> memref<224x128xf32, #tpu.memory_space<vmem>>
    %dma_start3A_103 = arith.constant 0 : i32
    %dma_start3A_104 = tpu.memref_slice %arg4[%add3A_97, %dma_start3A_103] : memref<100000x128xf32, #tpu.memory_space<hbm>> -> memref<224x128xf32, #tpu.memory_space<hbm>>
    %dma_start3A_105 = arith.constant 0 : i32
    %dma_start3A_106 = tpu.memref_slice %arg4[%add3A_97, %dma_start3A_105] : memref<100000x128xf32, #tpu.memory_space<hbm>> -> memref<224x128xf32, #tpu.memory_space<hbm>>
    %dma_start3A_107 = arith.constant 0 : i32
    %dma_start3A_108 = arith.constant 0 : i32
    %dma_start3A_109 = tpu.memref_slice %arg6[%dma_start3A_98, %dma_start3A_107, %dma_start3A_108] : memref<3x224x128xf32, #tpu.memory_space<vmem>> -> memref<1x224x128xf32, #tpu.memory_space<vmem>>
    %dma_start3A_110 = tpu.memref_squeeze %dma_start3A_109 : memref<1x224x128xf32, #tpu.memory_space<vmem>> -> memref<224x128xf32, #tpu.memory_space<vmem>>
    tpu.enqueue_dma source(%dma_start3A_110 : memref<224x128xf32, #tpu.memory_space<vmem>>) target(%dma_start3A_106 : memref<224x128xf32, #tpu.memory_space<hbm>>) target_semaphore(%arg13 : memref<!tpu.dma_semaphore, #tpu.memory_space<semaphore_mem>>)
    %dma_wait3A_111 = arith.constant 1 : i32
    %dma_wait3A_112 = arith.constant 0 : i32
    %dma_wait3A_113 = arith.constant 0 : i32
    %dma_wait3A_114 = tpu.memref_slice %arg6[%dma_wait3A_111, %dma_wait3A_112, %dma_wait3A_113] : memref<3x224x128xf32, #tpu.memory_space<vmem>> -> memref<1x224x128xf32, #tpu.memory_space<vmem>>
    %dma_wait3A_115 = tpu.memref_squeeze %dma_wait3A_114 : memref<1x224x128xf32, #tpu.memory_space<vmem>> -> memref<224x128xf32, #tpu.memory_space<vmem>>
    %dma_wait3A_116 = arith.constant 0 : i32
    %dma_wait3A_117 = tpu.memref_slice %arg4[%add3A_97, %dma_wait3A_116] : memref<100000x128xf32, #tpu.memory_space<hbm>> -> memref<224x128xf32, #tpu.memory_space<hbm>>
    %dma_wait3A_118 = arith.constant 0 : i32
    %dma_wait3A_119 = tpu.memref_slice %arg4[%add3A_97, %dma_wait3A_118] : memref<100000x128xf32, #tpu.memory_space<hbm>> -> memref<224x128xf32, #tpu.memory_space<hbm>>
    %dma_wait3A_120 = arith.constant 0 : i32
    %dma_wait3A_121 = arith.constant 0 : i32
    %dma_wait3A_122 = tpu.memref_slice %arg6[%dma_wait3A_111, %dma_wait3A_120, %dma_wait3A_121] : memref<3x224x128xf32, #tpu.memory_space<vmem>> -> memref<1x224x128xf32, #tpu.memory_space<vmem>>
    %dma_wait3A_123 = tpu.memref_squeeze %dma_wait3A_122 : memref<1x224x128xf32, #tpu.memory_space<vmem>> -> memref<224x128xf32, #tpu.memory_space<vmem>>
    tpu.wait_dma2 semaphore(%arg13 : memref<!tpu.dma_semaphore, #tpu.memory_space<semaphore_mem>>) src(%dma_wait3A_123 : memref<224x128xf32, #tpu.memory_space<vmem>>) dst(%dma_wait3A_119 : memref<224x128xf32, #tpu.memory_space<hbm>>)
    %dma_start3A_124 = arith.constant 1 : i32
    %dma_start3A_125 = arith.constant 0 : i32
    %dma_start3A_126 = arith.constant 0 : i32
    %dma_start3A_127 = tpu.memref_slice %arg6[%dma_start3A_124, %dma_start3A_125, %dma_start3A_126] : memref<3x224x128xf32, #tpu.memory_space<vmem>> -> memref<1x224x128xf32, #tpu.memory_space<vmem>>
    %dma_start3A_128 = tpu.memref_squeeze %dma_start3A_127 : memref<1x224x128xf32, #tpu.memory_space<vmem>> -> memref<224x128xf32, #tpu.memory_space<vmem>>
    %dma_start3A_129 = arith.constant 896 : i32
    %dma_start3A_130 = tpu.memref_slice %arg5[%dma_start3A_129] : memref<3136xi32, #tpu.memory_space<vmem>> -> memref<224xi32, #tpu.memory_space<vmem>>
    %dma_start3A_131 = arith.constant 0 : i32
    %dma_start3A_132 = arith.constant 0 : i32
    %dma_start3A_133 = tpu.memref_slice %arg7[%dma_start3A_131, %dma_start3A_132] : memref<94x128xf32, #tpu.memory_space<vmem_shared>> -> memref<94x128xf32, #tpu.memory_space<vmem_shared>>
    tpu.enqueue_indirect_dma source(%dma_start3A_133 : memref<94x128xf32, #tpu.memory_space<vmem_shared>>) target(%dma_start3A_128 : memref<224x128xf32, #tpu.memory_space<vmem>>) offsets(%dma_start3A_130 : memref<224xi32, #tpu.memory_space<vmem>>) semaphore(%arg10 : memref<!tpu.dma_semaphore, #tpu.memory_space<semaphore_mem>>)
    %dma_wait3A_134 = arith.constant 2 : i32
    %dma_wait3A_135 = arith.constant 0 : i32
    %dma_wait3A_136 = arith.constant 0 : i32
    %dma_wait3A_137 = tpu.memref_slice %arg6[%dma_wait3A_134, %dma_wait3A_135, %dma_wait3A_136] : memref<3x224x128xf32, #tpu.memory_space<vmem>> -> memref<1x224x128xf32, #tpu.memory_space<vmem>>
    %dma_wait3A_138 = tpu.memref_squeeze %dma_wait3A_137 : memref<1x224x128xf32, #tpu.memory_space<vmem>> -> memref<224x128xf32, #tpu.memory_space<vmem>>
    %dma_wait3A_139 = arith.constant 448 : i32
    %dma_wait3A_140 = tpu.memref_slice %arg5[%dma_wait3A_139] : memref<3136xi32, #tpu.memory_space<vmem>> -> memref<224xi32, #tpu.memory_space<vmem>>
    %dma_wait3A_141 = arith.constant 0 : i32
    %dma_wait3A_142 = arith.constant 0 : i32
    %dma_wait3A_143 = tpu.memref_slice %arg7[%dma_wait3A_141, %dma_wait3A_142] : memref<94x128xf32, #tpu.memory_space<vmem_shared>> -> memref<94x128xf32, #tpu.memory_space<vmem_shared>>
    tpu.wait_indirect_dma semaphore(%arg11 : memref<!tpu.dma_semaphore, #tpu.memory_space<semaphore_mem>>) src(%dma_wait3A_143 : memref<94x128xf32, #tpu.memory_space<vmem_shared>>) dst(%dma_wait3A_138 : memref<224x128xf32, #tpu.memory_space<vmem>>)
    %add3A_144 = arith.constant 448 : i32
    %add3A_145 = arith.addi %min3A_3, %add3A_144 : i32
    %dma_start3A_146 = arith.constant 2 : i32
    %dma_start3A_147 = arith.constant 0 : i32
    %dma_start3A_148 = arith.constant 0 : i32
    %dma_start3A_149 = tpu.memref_slice %arg6[%dma_start3A_146, %dma_start3A_147, %dma_start3A_148] : memref<3x224x128xf32, #tpu.memory_space<vmem>> -> memref<1x224x128xf32, #tpu.memory_space<vmem>>
    %dma_start3A_150 = tpu.memref_squeeze %dma_start3A_149 : memref<1x224x128xf32, #tpu.memory_space<vmem>> -> memref<224x128xf32, #tpu.memory_space<vmem>>
    %dma_start3A_151 = arith.constant 0 : i32
    %dma_start3A_152 = tpu.memref_slice %arg4[%add3A_145, %dma_start3A_151] : memref<100000x128xf32, #tpu.memory_space<hbm>> -> memref<224x128xf32, #tpu.memory_space<hbm>>
    %dma_start3A_153 = arith.constant 0 : i32
    %dma_start3A_154 = tpu.memref_slice %arg4[%add3A_145, %dma_start3A_153] : memref<100000x128xf32, #tpu.memory_space<hbm>> -> memref<224x128xf32, #tpu.memory_space<hbm>>
    %dma_start3A_155 = arith.constant 0 : i32
    %dma_start3A_156 = arith.constant 0 : i32
    %dma_start3A_157 = tpu.memref_slice %arg6[%dma_start3A_146, %dma_start3A_155, %dma_start3A_156] : memref<3x224x128xf32, #tpu.memory_space<vmem>> -> memref<1x224x128xf32, #tpu.memory_space<vmem>>
    %dma_start3A_158 = tpu.memref_squeeze %dma_start3A_157 : memref<1x224x128xf32, #tpu.memory_space<vmem>> -> memref<224x128xf32, #tpu.memory_space<vmem>>
    tpu.enqueue_dma source(%dma_start3A_158 : memref<224x128xf32, #tpu.memory_space<vmem>>) target(%dma_start3A_154 : memref<224x128xf32, #tpu.memory_space<hbm>>) target_semaphore(%arg14 : memref<!tpu.dma_semaphore, #tpu.memory_space<semaphore_mem>>)
    %dma_wait3A_159 = arith.constant 2 : i32
    %dma_wait3A_160 = arith.constant 0 : i32
    %dma_wait3A_161 = arith.constant 0 : i32
    %dma_wait3A_162 = tpu.memref_slice %arg6[%dma_wait3A_159, %dma_wait3A_160, %dma_wait3A_161] : memref<3x224x128xf32, #tpu.memory_space<vmem>> -> memref<1x224x128xf32, #tpu.memory_space<vmem>>
    %dma_wait3A_163 = tpu.memref_squeeze %dma_wait3A_162 : memref<1x224x128xf32, #tpu.memory_space<vmem>> -> memref<224x128xf32, #tpu.memory_space<vmem>>
    %dma_wait3A_164 = arith.constant 0 : i32
    %dma_wait3A_165 = tpu.memref_slice %arg4[%add3A_145, %dma_wait3A_164] : memref<100000x128xf32, #tpu.memory_space<hbm>> -> memref<224x128xf32, #tpu.memory_space<hbm>>
    %dma_wait3A_166 = arith.constant 0 : i32
    %dma_wait3A_167 = tpu.memref_slice %arg4[%add3A_145, %dma_wait3A_166] : memref<100000x128xf32, #tpu.memory_space<hbm>> -> memref<224x128xf32, #tpu.memory_space<hbm>>
    %dma_wait3A_168 = arith.constant 0 : i32
    %dma_wait3A_169 = arith.constant 0 : i32
    %dma_wait3A_170 = tpu.memref_slice %arg6[%dma_wait3A_159, %dma_wait3A_168, %dma_wait3A_169] : memref<3x224x128xf32, #tpu.memory_space<vmem>> -> memref<1x224x128xf32, #tpu.memory_space<vmem>>
    %dma_wait3A_171 = tpu.memref_squeeze %dma_wait3A_170 : memref<1x224x128xf32, #tpu.memory_space<vmem>> -> memref<224x128xf32, #tpu.memory_space<vmem>>
    tpu.wait_dma2 semaphore(%arg14 : memref<!tpu.dma_semaphore, #tpu.memory_space<semaphore_mem>>) src(%dma_wait3A_171 : memref<224x128xf32, #tpu.memory_space<vmem>>) dst(%dma_wait3A_167 : memref<224x128xf32, #tpu.memory_space<hbm>>)
    %dma_start3A_172 = arith.constant 2 : i32
    %dma_start3A_173 = arith.constant 0 : i32
    %dma_start3A_174 = arith.constant 0 : i32
    %dma_start3A_175 = tpu.memref_slice %arg6[%dma_start3A_172, %dma_start3A_173, %dma_start3A_174] : memref<3x224x128xf32, #tpu.memory_space<vmem>> -> memref<1x224x128xf32, #tpu.memory_space<vmem>>
    %dma_start3A_176 = tpu.memref_squeeze %dma_start3A_175 : memref<1x224x128xf32, #tpu.memory_space<vmem>> -> memref<224x128xf32, #tpu.memory_space<vmem>>
    %dma_start3A_177 = arith.constant 1120 : i32
    %dma_start3A_178 = tpu.memref_slice %arg5[%dma_start3A_177] : memref<3136xi32, #tpu.memory_space<vmem>> -> memref<224xi32, #tpu.memory_space<vmem>>
    %dma_start3A_179 = arith.constant 0 : i32
    %dma_start3A_180 = arith.constant 0 : i32
    %dma_start3A_181 = tpu.memref_slice %arg7[%dma_start3A_179, %dma_start3A_180] : memref<94x128xf32, #tpu.memory_space<vmem_shared>> -> memref<94x128xf32, #tpu.memory_space<vmem_shared>>
    tpu.enqueue_indirect_dma source(%dma_start3A_181 : memref<94x128xf32, #tpu.memory_space<vmem_shared>>) target(%dma_start3A_176 : memref<224x128xf32, #tpu.memory_space<vmem>>) offsets(%dma_start3A_178 : memref<224xi32, #tpu.memory_space<vmem>>) semaphore(%arg11 : memref<!tpu.dma_semaphore, #tpu.memory_space<semaphore_mem>>)
    %dma_wait3A_182 = arith.constant 0 : i32
    %dma_wait3A_183 = arith.constant 0 : i32
    %dma_wait3A_184 = arith.constant 0 : i32
    %dma_wait3A_185 = tpu.memref_slice %arg6[%dma_wait3A_182, %dma_wait3A_183, %dma_wait3A_184] : memref<3x224x128xf32, #tpu.memory_space<vmem>> -> memref<1x224x128xf32, #tpu.memory_space<vmem>>
    %dma_wait3A_186 = tpu.memref_squeeze %dma_wait3A_185 : memref<1x224x128xf32, #tpu.memory_space<vmem>> -> memref<224x128xf32, #tpu.memory_space<vmem>>
    %dma_wait3A_187 = arith.constant 672 : i32
    %dma_wait3A_188 = tpu.memref_slice %arg5[%dma_wait3A_187] : memref<3136xi32, #tpu.memory_space<vmem>> -> memref<224xi32, #tpu.memory_space<vmem>>
    %dma_wait3A_189 = arith.constant 0 : i32
    %dma_wait3A_190 = arith.constant 0 : i32
    %dma_wait3A_191 = tpu.memref_slice %arg7[%dma_wait3A_189, %dma_wait3A_190] : memref<94x128xf32, #tpu.memory_space<vmem_shared>> -> memref<94x128xf32, #tpu.memory_space<vmem_shared>>
    tpu.wait_indirect_dma semaphore(%arg9 : memref<!tpu.dma_semaphore, #tpu.memory_space<semaphore_mem>>) src(%dma_wait3A_191 : memref<94x128xf32, #tpu.memory_space<vmem_shared>>) dst(%dma_wait3A_186 : memref<224x128xf32, #tpu.memory_space<vmem>>)
    %add3A_192 = arith.constant 672 : i32
    %add3A_193 = arith.addi %min3A_3, %add3A_192 : i32
    %dma_start3A_194 = arith.constant 0 : i32
    %dma_start3A_195 = arith.constant 0 : i32
    %dma_start3A_196 = arith.constant 0 : i32
    %dma_start3A_197 = tpu.memref_slice %arg6[%dma_start3A_194, %dma_start3A_195, %dma_start3A_196] : memref<3x224x128xf32, #tpu.memory_space<vmem>> -> memref<1x224x128xf32, #tpu.memory_space<vmem>>
    %dma_start3A_198 = tpu.memref_squeeze %dma_start3A_197 : memref<1x224x128xf32, #tpu.memory_space<vmem>> -> memref<224x128xf32, #tpu.memory_space<vmem>>
    %dma_start3A_199 = arith.constant 0 : i32
    %dma_start3A_200 = tpu.memref_slice %arg4[%add3A_193, %dma_start3A_199] : memref<100000x128xf32, #tpu.memory_space<hbm>> -> memref<224x128xf32, #tpu.memory_space<hbm>>
    %dma_start3A_201 = arith.constant 0 : i32
    %dma_start3A_202 = tpu.memref_slice %arg4[%add3A_193, %dma_start3A_201] : memref<100000x128xf32, #tpu.memory_space<hbm>> -> memref<224x128xf32, #tpu.memory_space<hbm>>
    %dma_start3A_203 = arith.constant 0 : i32
    %dma_start3A_204 = arith.constant 0 : i32
    %dma_start3A_205 = tpu.memref_slice %arg6[%dma_start3A_194, %dma_start3A_203, %dma_start3A_204] : memref<3x224x128xf32, #tpu.memory_space<vmem>> -> memref<1x224x128xf32, #tpu.memory_space<vmem>>
    %dma_start3A_206 = tpu.memref_squeeze %dma_start3A_205 : memref<1x224x128xf32, #tpu.memory_space<vmem>> -> memref<224x128xf32, #tpu.memory_space<vmem>>
    tpu.enqueue_dma source(%dma_start3A_206 : memref<224x128xf32, #tpu.memory_space<vmem>>) target(%dma_start3A_202 : memref<224x128xf32, #tpu.memory_space<hbm>>) target_semaphore(%arg12 : memref<!tpu.dma_semaphore, #tpu.memory_space<semaphore_mem>>)
    %dma_wait3A_207 = arith.constant 0 : i32
    %dma_wait3A_208 = arith.constant 0 : i32
    %dma_wait3A_209 = arith.constant 0 : i32
    %dma_wait3A_210 = tpu.memref_slice %arg6[%dma_wait3A_207, %dma_wait3A_208, %dma_wait3A_209] : memref<3x224x128xf32, #tpu.memory_space<vmem>> -> memref<1x224x128xf32, #tpu.memory_space<vmem>>
    %dma_wait3A_211 = tpu.memref_squeeze %dma_wait3A_210 : memref<1x224x128xf32, #tpu.memory_space<vmem>> -> memref<224x128xf32, #tpu.memory_space<vmem>>
    %dma_wait3A_212 = arith.constant 0 : i32
    %dma_wait3A_213 = tpu.memref_slice %arg4[%add3A_193, %dma_wait3A_212] : memref<100000x128xf32, #tpu.memory_space<hbm>> -> memref<224x128xf32, #tpu.memory_space<hbm>>
    %dma_wait3A_214 = arith.constant 0 : i32
    %dma_wait3A_215 = tpu.memref_slice %arg4[%add3A_193, %dma_wait3A_214] : memref<100000x128xf32, #tpu.memory_space<hbm>> -> memref<224x128xf32, #tpu.memory_space<hbm>>
    %dma_wait3A_216 = arith.constant 0 : i32
    %dma_wait3A_217 = arith.constant 0 : i32
    %dma_wait3A_218 = tpu.memref_slice %arg6[%dma_wait3A_207, %dma_wait3A_216, %dma_wait3A_217] : memref<3x224x128xf32, #tpu.memory_space<vmem>> -> memref<1x224x128xf32, #tpu.memory_space<vmem>>
    %dma_wait3A_219 = tpu.memref_squeeze %dma_wait3A_218 : memref<1x224x128xf32, #tpu.memory_space<vmem>> -> memref<224x128xf32, #tpu.memory_space<vmem>>
    tpu.wait_dma2 semaphore(%arg12 : memref<!tpu.dma_semaphore, #tpu.memory_space<semaphore_mem>>) src(%dma_wait3A_219 : memref<224x128xf32, #tpu.memory_space<vmem>>) dst(%dma_wait3A_215 : memref<224x128xf32, #tpu.memory_space<hbm>>)
    %dma_start3A_220 = arith.constant 0 : i32
    %dma_start3A_221 = arith.constant 0 : i32
    %dma_start3A_222 = arith.constant 0 : i32
    %dma_start3A_223 = tpu.memref_slice %arg6[%dma_start3A_220, %dma_start3A_221, %dma_start3A_222] : memref<3x224x128xf32, #tpu.memory_space<vmem>> -> memref<1x224x128xf32, #tpu.memory_space<vmem>>
    %dma_start3A_224 = tpu.memref_squeeze %dma_start3A_223 : memref<1x224x128xf32, #tpu.memory_space<vmem>> -> memref<224x128xf32, #tpu.memory_space<vmem>>
    %dma_start3A_225 = arith.constant 1344 : i32
    %dma_start3A_226 = tpu.memref_slice %arg5[%dma_start3A_225] : memref<3136xi32, #tpu.memory_space<vmem>> -> memref<224xi32, #tpu.memory_space<vmem>>
    %dma_start3A_227 = arith.constant 0 : i32
    %dma_start3A_228 = arith.constant 0 : i32
    %dma_start3A_229 = tpu.memref_slice %arg7[%dma_start3A_227, %dma_start3A_228] : memref<94x128xf32, #tpu.memory_space<vmem_shared>> -> memref<94x128xf32, #tpu.memory_space<vmem_shared>>
    tpu.enqueue_indirect_dma source(%dma_start3A_229 : memref<94x128xf32, #tpu.memory_space<vmem_shared>>) target(%dma_start3A_224 : memref<224x128xf32, #tpu.memory_space<vmem>>) offsets(%dma_start3A_226 : memref<224xi32, #tpu.memory_space<vmem>>) semaphore(%arg9 : memref<!tpu.dma_semaphore, #tpu.memory_space<semaphore_mem>>)
    %dma_wait3A_230 = arith.constant 1 : i32
    %dma_wait3A_231 = arith.constant 0 : i32
    %dma_wait3A_232 = arith.constant 0 : i32
    %dma_wait3A_233 = tpu.memref_slice %arg6[%dma_wait3A_230, %dma_wait3A_231, %dma_wait3A_232] : memref<3x224x128xf32, #tpu.memory_space<vmem>> -> memref<1x224x128xf32, #tpu.memory_space<vmem>>
    %dma_wait3A_234 = tpu.memref_squeeze %dma_wait3A_233 : memref<1x224x128xf32, #tpu.memory_space<vmem>> -> memref<224x128xf32, #tpu.memory_space<vmem>>
    %dma_wait3A_235 = arith.constant 896 : i32
    %dma_wait3A_236 = tpu.memref_slice %arg5[%dma_wait3A_235] : memref<3136xi32, #tpu.memory_space<vmem>> -> memref<224xi32, #tpu.memory_space<vmem>>
    %dma_wait3A_237 = arith.constant 0 : i32
    %dma_wait3A_238 = arith.constant 0 : i32
    %dma_wait3A_239 = tpu.memref_slice %arg7[%dma_wait3A_237, %dma_wait3A_238] : memref<94x128xf32, #tpu.memory_space<vmem_shared>> -> memref<94x128xf32, #tpu.memory_space<vmem_shared>>
    tpu.wait_indirect_dma semaphore(%arg10 : memref<!tpu.dma_semaphore, #tpu.memory_space<semaphore_mem>>) src(%dma_wait3A_239 : memref<94x128xf32, #tpu.memory_space<vmem_shared>>) dst(%dma_wait3A_234 : memref<224x128xf32, #tpu.memory_space<vmem>>)
    %add3A_240 = arith.constant 896 : i32
    %add3A_241 = arith.addi %min3A_3, %add3A_240 : i32
    %dma_start3A_242 = arith.constant 1 : i32
    %dma_start3A_243 = arith.constant 0 : i32
    %dma_start3A_244 = arith.constant 0 : i32
    %dma_start3A_245 = tpu.memref_slice %arg6[%dma_start3A_242, %dma_start3A_243, %dma_start3A_244] : memref<3x224x128xf32, #tpu.memory_space<vmem>> -> memref<1x224x128xf32, #tpu.memory_space<vmem>>
    %dma_start3A_246 = tpu.memref_squeeze %dma_start3A_245 : memref<1x224x128xf32, #tpu.memory_space<vmem>> -> memref<224x128xf32, #tpu.memory_space<vmem>>
    %dma_start3A_247 = arith.constant 0 : i32
    %dma_start3A_248 = tpu.memref_slice %arg4[%add3A_241, %dma_start3A_247] : memref<100000x128xf32, #tpu.memory_space<hbm>> -> memref<224x128xf32, #tpu.memory_space<hbm>>
    %dma_start3A_249 = arith.constant 0 : i32
    %dma_start3A_250 = tpu.memref_slice %arg4[%add3A_241, %dma_start3A_249] : memref<100000x128xf32, #tpu.memory_space<hbm>> -> memref<224x128xf32, #tpu.memory_space<hbm>>
    %dma_start3A_251 = arith.constant 0 : i32
    %dma_start3A_252 = arith.constant 0 : i32
    %dma_start3A_253 = tpu.memref_slice %arg6[%dma_start3A_242, %dma_start3A_251, %dma_start3A_252] : memref<3x224x128xf32, #tpu.memory_space<vmem>> -> memref<1x224x128xf32, #tpu.memory_space<vmem>>
    %dma_start3A_254 = tpu.memref_squeeze %dma_start3A_253 : memref<1x224x128xf32, #tpu.memory_space<vmem>> -> memref<224x128xf32, #tpu.memory_space<vmem>>
    tpu.enqueue_dma source(%dma_start3A_254 : memref<224x128xf32, #tpu.memory_space<vmem>>) target(%dma_start3A_250 : memref<224x128xf32, #tpu.memory_space<hbm>>) target_semaphore(%arg13 : memref<!tpu.dma_semaphore, #tpu.memory_space<semaphore_mem>>)
    %dma_wait3A_255 = arith.constant 1 : i32
    %dma_wait3A_256 = arith.constant 0 : i32
    %dma_wait3A_257 = arith.constant 0 : i32
    %dma_wait3A_258 = tpu.memref_slice %arg6[%dma_wait3A_255, %dma_wait3A_256, %dma_wait3A_257] : memref<3x224x128xf32, #tpu.memory_space<vmem>> -> memref<1x224x128xf32, #tpu.memory_space<vmem>>
    %dma_wait3A_259 = tpu.memref_squeeze %dma_wait3A_258 : memref<1x224x128xf32, #tpu.memory_space<vmem>> -> memref<224x128xf32, #tpu.memory_space<vmem>>
    %dma_wait3A_260 = arith.constant 0 : i32
    %dma_wait3A_261 = tpu.memref_slice %arg4[%add3A_241, %dma_wait3A_260] : memref<100000x128xf32, #tpu.memory_space<hbm>> -> memref<224x128xf32, #tpu.memory_space<hbm>>
    %dma_wait3A_262 = arith.constant 0 : i32
    %dma_wait3A_263 = tpu.memref_slice %arg4[%add3A_241, %dma_wait3A_262] : memref<100000x128xf32, #tpu.memory_space<hbm>> -> memref<224x128xf32, #tpu.memory_space<hbm>>
    %dma_wait3A_264 = arith.constant 0 : i32
    %dma_wait3A_265 = arith.constant 0 : i32
    %dma_wait3A_266 = tpu.memref_slice %arg6[%dma_wait3A_255, %dma_wait3A_264, %dma_wait3A_265] : memref<3x224x128xf32, #tpu.memory_space<vmem>> -> memref<1x224x128xf32, #tpu.memory_space<vmem>>
    %dma_wait3A_267 = tpu.memref_squeeze %dma_wait3A_266 : memref<1x224x128xf32, #tpu.memory_space<vmem>> -> memref<224x128xf32, #tpu.memory_space<vmem>>
    tpu.wait_dma2 semaphore(%arg13 : memref<!tpu.dma_semaphore, #tpu.memory_space<semaphore_mem>>) src(%dma_wait3A_267 : memref<224x128xf32, #tpu.memory_space<vmem>>) dst(%dma_wait3A_263 : memref<224x128xf32, #tpu.memory_space<hbm>>)
    %dma_start3A_268 = arith.constant 1 : i32
    %dma_start3A_269 = arith.constant 0 : i32
    %dma_start3A_270 = arith.constant 0 : i32
    %dma_start3A_271 = tpu.memref_slice %arg6[%dma_start3A_268, %dma_start3A_269, %dma_start3A_270] : memref<3x224x128xf32, #tpu.memory_space<vmem>> -> memref<1x224x128xf32, #tpu.memory_space<vmem>>
    %dma_start3A_272 = tpu.memref_squeeze %dma_start3A_271 : memref<1x224x128xf32, #tpu.memory_space<vmem>> -> memref<224x128xf32, #tpu.memory_space<vmem>>
    %dma_start3A_273 = arith.constant 1568 : i32
    %dma_start3A_274 = tpu.memref_slice %arg5[%dma_start3A_273] : memref<3136xi32, #tpu.memory_space<vmem>> -> memref<224xi32, #tpu.memory_space<vmem>>
    %dma_start3A_275 = arith.constant 0 : i32
    %dma_start3A_276 = arith.constant 0 : i32
    %dma_start3A_277 = tpu.memref_slice %arg7[%dma_start3A_275, %dma_start3A_276] : memref<94x128xf32, #tpu.memory_space<vmem_shared>> -> memref<94x128xf32, #tpu.memory_space<vmem_shared>>
    tpu.enqueue_indirect_dma source(%dma_start3A_277 : memref<94x128xf32, #tpu.memory_space<vmem_shared>>) target(%dma_start3A_272 : memref<224x128xf32, #tpu.memory_space<vmem>>) offsets(%dma_start3A_274 : memref<224xi32, #tpu.memory_space<vmem>>) semaphore(%arg10 : memref<!tpu.dma_semaphore, #tpu.memory_space<semaphore_mem>>)
    %dma_wait3A_278 = arith.constant 2 : i32
    %dma_wait3A_279 = arith.constant 0 : i32
    %dma_wait3A_280 = arith.constant 0 : i32
    %dma_wait3A_281 = tpu.memref_slice %arg6[%dma_wait3A_278, %dma_wait3A_279, %dma_wait3A_280] : memref<3x224x128xf32, #tpu.memory_space<vmem>> -> memref<1x224x128xf32, #tpu.memory_space<vmem>>
    %dma_wait3A_282 = tpu.memref_squeeze %dma_wait3A_281 : memref<1x224x128xf32, #tpu.memory_space<vmem>> -> memref<224x128xf32, #tpu.memory_space<vmem>>
    %dma_wait3A_283 = arith.constant 1120 : i32
    %dma_wait3A_284 = tpu.memref_slice %arg5[%dma_wait3A_283] : memref<3136xi32, #tpu.memory_space<vmem>> -> memref<224xi32, #tpu.memory_space<vmem>>
    %dma_wait3A_285 = arith.constant 0 : i32
    %dma_wait3A_286 = arith.constant 0 : i32
    %dma_wait3A_287 = tpu.memref_slice %arg7[%dma_wait3A_285, %dma_wait3A_286] : memref<94x128xf32, #tpu.memory_space<vmem_shared>> -> memref<94x128xf32, #tpu.memory_space<vmem_shared>>
    tpu.wait_indirect_dma semaphore(%arg11 : memref<!tpu.dma_semaphore, #tpu.memory_space<semaphore_mem>>) src(%dma_wait3A_287 : memref<94x128xf32, #tpu.memory_space<vmem_shared>>) dst(%dma_wait3A_282 : memref<224x128xf32, #tpu.memory_space<vmem>>)
    %add3A_288 = arith.constant 1120 : i32
    %add3A_289 = arith.addi %min3A_3, %add3A_288 : i32
    %dma_start3A_290 = arith.constant 2 : i32
    %dma_start3A_291 = arith.constant 0 : i32
    %dma_start3A_292 = arith.constant 0 : i32
    %dma_start3A_293 = tpu.memref_slice %arg6[%dma_start3A_290, %dma_start3A_291, %dma_start3A_292] : memref<3x224x128xf32, #tpu.memory_space<vmem>> -> memref<1x224x128xf32, #tpu.memory_space<vmem>>
    %dma_start3A_294 = tpu.memref_squeeze %dma_start3A_293 : memref<1x224x128xf32, #tpu.memory_space<vmem>> -> memref<224x128xf32, #tpu.memory_space<vmem>>
    %dma_start3A_295 = arith.constant 0 : i32
    %dma_start3A_296 = tpu.memref_slice %arg4[%add3A_289, %dma_start3A_295] : memref<100000x128xf32, #tpu.memory_space<hbm>> -> memref<224x128xf32, #tpu.memory_space<hbm>>
    %dma_start3A_297 = arith.constant 0 : i32
    %dma_start3A_298 = tpu.memref_slice %arg4[%add3A_289, %dma_start3A_297] : memref<100000x128xf32, #tpu.memory_space<hbm>> -> memref<224x128xf32, #tpu.memory_space<hbm>>
    %dma_start3A_299 = arith.constant 0 : i32
    %dma_start3A_300 = arith.constant 0 : i32
    %dma_start3A_301 = tpu.memref_slice %arg6[%dma_start3A_290, %dma_start3A_299, %dma_start3A_300] : memref<3x224x128xf32, #tpu.memory_space<vmem>> -> memref<1x224x128xf32, #tpu.memory_space<vmem>>
    %dma_start3A_302 = tpu.memref_squeeze %dma_start3A_301 : memref<1x224x128xf32, #tpu.memory_space<vmem>> -> memref<224x128xf32, #tpu.memory_space<vmem>>
    tpu.enqueue_dma source(%dma_start3A_302 : memref<224x128xf32, #tpu.memory_space<vmem>>) target(%dma_start3A_298 : memref<224x128xf32, #tpu.memory_space<hbm>>) target_semaphore(%arg14 : memref<!tpu.dma_semaphore, #tpu.memory_space<semaphore_mem>>)
    %dma_wait3A_303 = arith.constant 2 : i32
    %dma_wait3A_304 = arith.constant 0 : i32
    %dma_wait3A_305 = arith.constant 0 : i32
    %dma_wait3A_306 = tpu.memref_slice %arg6[%dma_wait3A_303, %dma_wait3A_304, %dma_wait3A_305] : memref<3x224x128xf32, #tpu.memory_space<vmem>> -> memref<1x224x128xf32, #tpu.memory_space<vmem>>
    %dma_wait3A_307 = tpu.memref_squeeze %dma_wait3A_306 : memref<1x224x128xf32, #tpu.memory_space<vmem>> -> memref<224x128xf32, #tpu.memory_space<vmem>>
    %dma_wait3A_308 = arith.constant 0 : i32
    %dma_wait3A_309 = tpu.memref_slice %arg4[%add3A_289, %dma_wait3A_308] : memref<100000x128xf32, #tpu.memory_space<hbm>> -> memref<224x128xf32, #tpu.memory_space<hbm>>
    %dma_wait3A_310 = arith.constant 0 : i32
    %dma_wait3A_311 = tpu.memref_slice %arg4[%add3A_289, %dma_wait3A_310] : memref<100000x128xf32, #tpu.memory_space<hbm>> -> memref<224x128xf32, #tpu.memory_space<hbm>>
    %dma_wait3A_312 = arith.constant 0 : i32
    %dma_wait3A_313 = arith.constant 0 : i32
    %dma_wait3A_314 = tpu.memref_slice %arg6[%dma_wait3A_303, %dma_wait3A_312, %dma_wait3A_313] : memref<3x224x128xf32, #tpu.memory_space<vmem>> -> memref<1x224x128xf32, #tpu.memory_space<vmem>>
    %dma_wait3A_315 = tpu.memref_squeeze %dma_wait3A_314 : memref<1x224x128xf32, #tpu.memory_space<vmem>> -> memref<224x128xf32, #tpu.memory_space<vmem>>
    tpu.wait_dma2 semaphore(%arg14 : memref<!tpu.dma_semaphore, #tpu.memory_space<semaphore_mem>>) src(%dma_wait3A_315 : memref<224x128xf32, #tpu.memory_space<vmem>>) dst(%dma_wait3A_311 : memref<224x128xf32, #tpu.memory_space<hbm>>)
    %dma_start3A_316 = arith.constant 2 : i32
    %dma_start3A_317 = arith.constant 0 : i32
    %dma_start3A_318 = arith.constant 0 : i32
    %dma_start3A_319 = tpu.memref_slice %arg6[%dma_start3A_316, %dma_start3A_317, %dma_start3A_318] : memref<3x224x128xf32, #tpu.memory_space<vmem>> -> memref<1x224x128xf32, #tpu.memory_space<vmem>>
    %dma_start3A_320 = tpu.memref_squeeze %dma_start3A_319 : memref<1x224x128xf32, #tpu.memory_space<vmem>> -> memref<224x128xf32, #tpu.memory_space<vmem>>
    %dma_start3A_321 = arith.constant 1792 : i32
    %dma_start3A_322 = tpu.memref_slice %arg5[%dma_start3A_321] : memref<3136xi32, #tpu.memory_space<vmem>> -> memref<224xi32, #tpu.memory_space<vmem>>
    %dma_start3A_323 = arith.constant 0 : i32
    %dma_start3A_324 = arith.constant 0 : i32
    %dma_start3A_325 = tpu.memref_slice %arg7[%dma_start3A_323, %dma_start3A_324] : memref<94x128xf32, #tpu.memory_space<vmem_shared>> -> memref<94x128xf32, #tpu.memory_space<vmem_shared>>
    tpu.enqueue_indirect_dma source(%dma_start3A_325 : memref<94x128xf32, #tpu.memory_space<vmem_shared>>) target(%dma_start3A_320 : memref<224x128xf32, #tpu.memory_space<vmem>>) offsets(%dma_start3A_322 : memref<224xi32, #tpu.memory_space<vmem>>) semaphore(%arg11 : memref<!tpu.dma_semaphore, #tpu.memory_space<semaphore_mem>>)
    %dma_wait3A_326 = arith.constant 0 : i32
    %dma_wait3A_327 = arith.constant 0 : i32
    %dma_wait3A_328 = arith.constant 0 : i32
    %dma_wait3A_329 = tpu.memref_slice %arg6[%dma_wait3A_326, %dma_wait3A_327, %dma_wait3A_328] : memref<3x224x128xf32, #tpu.memory_space<vmem>> -> memref<1x224x128xf32, #tpu.memory_space<vmem>>
    %dma_wait3A_330 = tpu.memref_squeeze %dma_wait3A_329 : memref<1x224x128xf32, #tpu.memory_space<vmem>> -> memref<224x128xf32, #tpu.memory_space<vmem>>
    %dma_wait3A_331 = arith.constant 1344 : i32
    %dma_wait3A_332 = tpu.memref_slice %arg5[%dma_wait3A_331] : memref<3136xi32, #tpu.memory_space<vmem>> -> memref<224xi32, #tpu.memory_space<vmem>>
    %dma_wait3A_333 = arith.constant 0 : i32
    %dma_wait3A_334 = arith.constant 0 : i32
    %dma_wait3A_335 = tpu.memref_slice %arg7[%dma_wait3A_333, %dma_wait3A_334] : memref<94x128xf32, #tpu.memory_space<vmem_shared>> -> memref<94x128xf32, #tpu.memory_space<vmem_shared>>
    tpu.wait_indirect_dma semaphore(%arg9 : memref<!tpu.dma_semaphore, #tpu.memory_space<semaphore_mem>>) src(%dma_wait3A_335 : memref<94x128xf32, #tpu.memory_space<vmem_shared>>) dst(%dma_wait3A_330 : memref<224x128xf32, #tpu.memory_space<vmem>>)
    %add3A_336 = arith.constant 1344 : i32
    %add3A_337 = arith.addi %min3A_3, %add3A_336 : i32
    %dma_start3A_338 = arith.constant 0 : i32
    %dma_start3A_339 = arith.constant 0 : i32
    %dma_start3A_340 = arith.constant 0 : i32
    %dma_start3A_341 = tpu.memref_slice %arg6[%dma_start3A_338, %dma_start3A_339, %dma_start3A_340] : memref<3x224x128xf32, #tpu.memory_space<vmem>> -> memref<1x224x128xf32, #tpu.memory_space<vmem>>
    %dma_start3A_342 = tpu.memref_squeeze %dma_start3A_341 : memref<1x224x128xf32, #tpu.memory_space<vmem>> -> memref<224x128xf32, #tpu.memory_space<vmem>>
    %dma_start3A_343 = arith.constant 0 : i32
    %dma_start3A_344 = tpu.memref_slice %arg4[%add3A_337, %dma_start3A_343] : memref<100000x128xf32, #tpu.memory_space<hbm>> -> memref<224x128xf32, #tpu.memory_space<hbm>>
    %dma_start3A_345 = arith.constant 0 : i32
    %dma_start3A_346 = tpu.memref_slice %arg4[%add3A_337, %dma_start3A_345] : memref<100000x128xf32, #tpu.memory_space<hbm>> -> memref<224x128xf32, #tpu.memory_space<hbm>>
    %dma_start3A_347 = arith.constant 0 : i32
    %dma_start3A_348 = arith.constant 0 : i32
    %dma_start3A_349 = tpu.memref_slice %arg6[%dma_start3A_338, %dma_start3A_347, %dma_start3A_348] : memref<3x224x128xf32, #tpu.memory_space<vmem>> -> memref<1x224x128xf32, #tpu.memory_space<vmem>>
    %dma_start3A_350 = tpu.memref_squeeze %dma_start3A_349 : memref<1x224x128xf32, #tpu.memory_space<vmem>> -> memref<224x128xf32, #tpu.memory_space<vmem>>
    tpu.enqueue_dma source(%dma_start3A_350 : memref<224x128xf32, #tpu.memory_space<vmem>>) target(%dma_start3A_346 : memref<224x128xf32, #tpu.memory_space<hbm>>) target_semaphore(%arg12 : memref<!tpu.dma_semaphore, #tpu.memory_space<semaphore_mem>>)
    %dma_wait3A_351 = arith.constant 0 : i32
    %dma_wait3A_352 = arith.constant 0 : i32
    %dma_wait3A_353 = arith.constant 0 : i32
    %dma_wait3A_354 = tpu.memref_slice %arg6[%dma_wait3A_351, %dma_wait3A_352, %dma_wait3A_353] : memref<3x224x128xf32, #tpu.memory_space<vmem>> -> memref<1x224x128xf32, #tpu.memory_space<vmem>>
    %dma_wait3A_355 = tpu.memref_squeeze %dma_wait3A_354 : memref<1x224x128xf32, #tpu.memory_space<vmem>> -> memref<224x128xf32, #tpu.memory_space<vmem>>
    %dma_wait3A_356 = arith.constant 0 : i32
    %dma_wait3A_357 = tpu.memref_slice %arg4[%add3A_337, %dma_wait3A_356] : memref<100000x128xf32, #tpu.memory_space<hbm>> -> memref<224x128xf32, #tpu.memory_space<hbm>>
    %dma_wait3A_358 = arith.constant 0 : i32
    %dma_wait3A_359 = tpu.memref_slice %arg4[%add3A_337, %dma_wait3A_358] : memref<100000x128xf32, #tpu.memory_space<hbm>> -> memref<224x128xf32, #tpu.memory_space<hbm>>
    %dma_wait3A_360 = arith.constant 0 : i32
    %dma_wait3A_361 = arith.constant 0 : i32
    %dma_wait3A_362 = tpu.memref_slice %arg6[%dma_wait3A_351, %dma_wait3A_360, %dma_wait3A_361] : memref<3x224x128xf32, #tpu.memory_space<vmem>> -> memref<1x224x128xf32, #tpu.memory_space<vmem>>
    %dma_wait3A_363 = tpu.memref_squeeze %dma_wait3A_362 : memref<1x224x128xf32, #tpu.memory_space<vmem>> -> memref<224x128xf32, #tpu.memory_space<vmem>>
    tpu.wait_dma2 semaphore(%arg12 : memref<!tpu.dma_semaphore, #tpu.memory_space<semaphore_mem>>) src(%dma_wait3A_363 : memref<224x128xf32, #tpu.memory_space<vmem>>) dst(%dma_wait3A_359 : memref<224x128xf32, #tpu.memory_space<hbm>>)
    %dma_start3A_364 = arith.constant 0 : i32
    %dma_start3A_365 = arith.constant 0 : i32
    %dma_start3A_366 = arith.constant 0 : i32
    %dma_start3A_367 = tpu.memref_slice %arg6[%dma_start3A_364, %dma_start3A_365, %dma_start3A_366] : memref<3x224x128xf32, #tpu.memory_space<vmem>> -> memref<1x224x128xf32, #tpu.memory_space<vmem>>
    %dma_start3A_368 = tpu.memref_squeeze %dma_start3A_367 : memref<1x224x128xf32, #tpu.memory_space<vmem>> -> memref<224x128xf32, #tpu.memory_space<vmem>>
    %dma_start3A_369 = arith.constant 2016 : i32
    %dma_start3A_370 = tpu.memref_slice %arg5[%dma_start3A_369] : memref<3136xi32, #tpu.memory_space<vmem>> -> memref<224xi32, #tpu.memory_space<vmem>>
    %dma_start3A_371 = arith.constant 0 : i32
    %dma_start3A_372 = arith.constant 0 : i32
    %dma_start3A_373 = tpu.memref_slice %arg7[%dma_start3A_371, %dma_start3A_372] : memref<94x128xf32, #tpu.memory_space<vmem_shared>> -> memref<94x128xf32, #tpu.memory_space<vmem_shared>>
    tpu.enqueue_indirect_dma source(%dma_start3A_373 : memref<94x128xf32, #tpu.memory_space<vmem_shared>>) target(%dma_start3A_368 : memref<224x128xf32, #tpu.memory_space<vmem>>) offsets(%dma_start3A_370 : memref<224xi32, #tpu.memory_space<vmem>>) semaphore(%arg9 : memref<!tpu.dma_semaphore, #tpu.memory_space<semaphore_mem>>)
    %dma_wait3A_374 = arith.constant 1 : i32
    %dma_wait3A_375 = arith.constant 0 : i32
    %dma_wait3A_376 = arith.constant 0 : i32
    %dma_wait3A_377 = tpu.memref_slice %arg6[%dma_wait3A_374, %dma_wait3A_375, %dma_wait3A_376] : memref<3x224x128xf32, #tpu.memory_space<vmem>> -> memref<1x224x128xf32, #tpu.memory_space<vmem>>
    %dma_wait3A_378 = tpu.memref_squeeze %dma_wait3A_377 : memref<1x224x128xf32, #tpu.memory_space<vmem>> -> memref<224x128xf32, #tpu.memory_space<vmem>>
    %dma_wait3A_379 = arith.constant 1568 : i32
    %dma_wait3A_380 = tpu.memref_slice %arg5[%dma_wait3A_379] : memref<3136xi32, #tpu.memory_space<vmem>> -> memref<224xi32, #tpu.memory_space<vmem>>
    %dma_wait3A_381 = arith.constant 0 : i32
    %dma_wait3A_382 = arith.constant 0 : i32
    %dma_wait3A_383 = tpu.memref_slice %arg7[%dma_wait3A_381, %dma_wait3A_382] : memref<94x128xf32, #tpu.memory_space<vmem_shared>> -> memref<94x128xf32, #tpu.memory_space<vmem_shared>>
    tpu.wait_indirect_dma semaphore(%arg10 : memref<!tpu.dma_semaphore, #tpu.memory_space<semaphore_mem>>) src(%dma_wait3A_383 : memref<94x128xf32, #tpu.memory_space<vmem_shared>>) dst(%dma_wait3A_378 : memref<224x128xf32, #tpu.memory_space<vmem>>)
    %add3A_384 = arith.constant 1568 : i32
    %add3A_385 = arith.addi %min3A_3, %add3A_384 : i32
    %dma_start3A_386 = arith.constant 1 : i32
    %dma_start3A_387 = arith.constant 0 : i32
    %dma_start3A_388 = arith.constant 0 : i32
    %dma_start3A_389 = tpu.memref_slice %arg6[%dma_start3A_386, %dma_start3A_387, %dma_start3A_388] : memref<3x224x128xf32, #tpu.memory_space<vmem>> -> memref<1x224x128xf32, #tpu.memory_space<vmem>>
    %dma_start3A_390 = tpu.memref_squeeze %dma_start3A_389 : memref<1x224x128xf32, #tpu.memory_space<vmem>> -> memref<224x128xf32, #tpu.memory_space<vmem>>
    %dma_start3A_391 = arith.constant 0 : i32
    %dma_start3A_392 = tpu.memref_slice %arg4[%add3A_385, %dma_start3A_391] : memref<100000x128xf32, #tpu.memory_space<hbm>> -> memref<224x128xf32, #tpu.memory_space<hbm>>
    %dma_start3A_393 = arith.constant 0 : i32
    %dma_start3A_394 = tpu.memref_slice %arg4[%add3A_385, %dma_start3A_393] : memref<100000x128xf32, #tpu.memory_space<hbm>> -> memref<224x128xf32, #tpu.memory_space<hbm>>
    %dma_start3A_395 = arith.constant 0 : i32
    %dma_start3A_396 = arith.constant 0 : i32
    %dma_start3A_397 = tpu.memref_slice %arg6[%dma_start3A_386, %dma_start3A_395, %dma_start3A_396] : memref<3x224x128xf32, #tpu.memory_space<vmem>> -> memref<1x224x128xf32, #tpu.memory_space<vmem>>
    %dma_start3A_398 = tpu.memref_squeeze %dma_start3A_397 : memref<1x224x128xf32, #tpu.memory_space<vmem>> -> memref<224x128xf32, #tpu.memory_space<vmem>>
    tpu.enqueue_dma source(%dma_start3A_398 : memref<224x128xf32, #tpu.memory_space<vmem>>) target(%dma_start3A_394 : memref<224x128xf32, #tpu.memory_space<hbm>>) target_semaphore(%arg13 : memref<!tpu.dma_semaphore, #tpu.memory_space<semaphore_mem>>)
    %dma_wait3A_399 = arith.constant 1 : i32
    %dma_wait3A_400 = arith.constant 0 : i32
    %dma_wait3A_401 = arith.constant 0 : i32
    %dma_wait3A_402 = tpu.memref_slice %arg6[%dma_wait3A_399, %dma_wait3A_400, %dma_wait3A_401] : memref<3x224x128xf32, #tpu.memory_space<vmem>> -> memref<1x224x128xf32, #tpu.memory_space<vmem>>
    %dma_wait3A_403 = tpu.memref_squeeze %dma_wait3A_402 : memref<1x224x128xf32, #tpu.memory_space<vmem>> -> memref<224x128xf32, #tpu.memory_space<vmem>>
    %dma_wait3A_404 = arith.constant 0 : i32
    %dma_wait3A_405 = tpu.memref_slice %arg4[%add3A_385, %dma_wait3A_404] : memref<100000x128xf32, #tpu.memory_space<hbm>> -> memref<224x128xf32, #tpu.memory_space<hbm>>
    %dma_wait3A_406 = arith.constant 0 : i32
    %dma_wait3A_407 = tpu.memref_slice %arg4[%add3A_385, %dma_wait3A_406] : memref<100000x128xf32, #tpu.memory_space<hbm>> -> memref<224x128xf32, #tpu.memory_space<hbm>>
    %dma_wait3A_408 = arith.constant 0 : i32
    %dma_wait3A_409 = arith.constant 0 : i32
    %dma_wait3A_410 = tpu.memref_slice %arg6[%dma_wait3A_399, %dma_wait3A_408, %dma_wait3A_409] : memref<3x224x128xf32, #tpu.memory_space<vmem>> -> memref<1x224x128xf32, #tpu.memory_space<vmem>>
    %dma_wait3A_411 = tpu.memref_squeeze %dma_wait3A_410 : memref<1x224x128xf32, #tpu.memory_space<vmem>> -> memref<224x128xf32, #tpu.memory_space<vmem>>
    tpu.wait_dma2 semaphore(%arg13 : memref<!tpu.dma_semaphore, #tpu.memory_space<semaphore_mem>>) src(%dma_wait3A_411 : memref<224x128xf32, #tpu.memory_space<vmem>>) dst(%dma_wait3A_407 : memref<224x128xf32, #tpu.memory_space<hbm>>)
    %dma_start3A_412 = arith.constant 1 : i32
    %dma_start3A_413 = arith.constant 0 : i32
    %dma_start3A_414 = arith.constant 0 : i32
    %dma_start3A_415 = tpu.memref_slice %arg6[%dma_start3A_412, %dma_start3A_413, %dma_start3A_414] : memref<3x224x128xf32, #tpu.memory_space<vmem>> -> memref<1x224x128xf32, #tpu.memory_space<vmem>>
    %dma_start3A_416 = tpu.memref_squeeze %dma_start3A_415 : memref<1x224x128xf32, #tpu.memory_space<vmem>> -> memref<224x128xf32, #tpu.memory_space<vmem>>
    %dma_start3A_417 = arith.constant 2240 : i32
    %dma_start3A_418 = tpu.memref_slice %arg5[%dma_start3A_417] : memref<3136xi32, #tpu.memory_space<vmem>> -> memref<224xi32, #tpu.memory_space<vmem>>
    %dma_start3A_419 = arith.constant 0 : i32
    %dma_start3A_420 = arith.constant 0 : i32
    %dma_start3A_421 = tpu.memref_slice %arg7[%dma_start3A_419, %dma_start3A_420] : memref<94x128xf32, #tpu.memory_space<vmem_shared>> -> memref<94x128xf32, #tpu.memory_space<vmem_shared>>
    tpu.enqueue_indirect_dma source(%dma_start3A_421 : memref<94x128xf32, #tpu.memory_space<vmem_shared>>) target(%dma_start3A_416 : memref<224x128xf32, #tpu.memory_space<vmem>>) offsets(%dma_start3A_418 : memref<224xi32, #tpu.memory_space<vmem>>) semaphore(%arg10 : memref<!tpu.dma_semaphore, #tpu.memory_space<semaphore_mem>>)
    %dma_wait3A_422 = arith.constant 2 : i32
    %dma_wait3A_423 = arith.constant 0 : i32
    %dma_wait3A_424 = arith.constant 0 : i32
    %dma_wait3A_425 = tpu.memref_slice %arg6[%dma_wait3A_422, %dma_wait3A_423, %dma_wait3A_424] : memref<3x224x128xf32, #tpu.memory_space<vmem>> -> memref<1x224x128xf32, #tpu.memory_space<vmem>>
    %dma_wait3A_426 = tpu.memref_squeeze %dma_wait3A_425 : memref<1x224x128xf32, #tpu.memory_space<vmem>> -> memref<224x128xf32, #tpu.memory_space<vmem>>
    %dma_wait3A_427 = arith.constant 1792 : i32
    %dma_wait3A_428 = tpu.memref_slice %arg5[%dma_wait3A_427] : memref<3136xi32, #tpu.memory_space<vmem>> -> memref<224xi32, #tpu.memory_space<vmem>>
    %dma_wait3A_429 = arith.constant 0 : i32
    %dma_wait3A_430 = arith.constant 0 : i32
    %dma_wait3A_431 = tpu.memref_slice %arg7[%dma_wait3A_429, %dma_wait3A_430] : memref<94x128xf32, #tpu.memory_space<vmem_shared>> -> memref<94x128xf32, #tpu.memory_space<vmem_shared>>
    tpu.wait_indirect_dma semaphore(%arg11 : memref<!tpu.dma_semaphore, #tpu.memory_space<semaphore_mem>>) src(%dma_wait3A_431 : memref<94x128xf32, #tpu.memory_space<vmem_shared>>) dst(%dma_wait3A_426 : memref<224x128xf32, #tpu.memory_space<vmem>>)
    %add3A_432 = arith.constant 1792 : i32
    %add3A_433 = arith.addi %min3A_3, %add3A_432 : i32
    %dma_start3A_434 = arith.constant 2 : i32
    %dma_start3A_435 = arith.constant 0 : i32
    %dma_start3A_436 = arith.constant 0 : i32
    %dma_start3A_437 = tpu.memref_slice %arg6[%dma_start3A_434, %dma_start3A_435, %dma_start3A_436] : memref<3x224x128xf32, #tpu.memory_space<vmem>> -> memref<1x224x128xf32, #tpu.memory_space<vmem>>
    %dma_start3A_438 = tpu.memref_squeeze %dma_start3A_437 : memref<1x224x128xf32, #tpu.memory_space<vmem>> -> memref<224x128xf32, #tpu.memory_space<vmem>>
    %dma_start3A_439 = arith.constant 0 : i32
    %dma_start3A_440 = tpu.memref_slice %arg4[%add3A_433, %dma_start3A_439] : memref<100000x128xf32, #tpu.memory_space<hbm>> -> memref<224x128xf32, #tpu.memory_space<hbm>>
    %dma_start3A_441 = arith.constant 0 : i32
    %dma_start3A_442 = tpu.memref_slice %arg4[%add3A_433, %dma_start3A_441] : memref<100000x128xf32, #tpu.memory_space<hbm>> -> memref<224x128xf32, #tpu.memory_space<hbm>>
    %dma_start3A_443 = arith.constant 0 : i32
    %dma_start3A_444 = arith.constant 0 : i32
    %dma_start3A_445 = tpu.memref_slice %arg6[%dma_start3A_434, %dma_start3A_443, %dma_start3A_444] : memref<3x224x128xf32, #tpu.memory_space<vmem>> -> memref<1x224x128xf32, #tpu.memory_space<vmem>>
    %dma_start3A_446 = tpu.memref_squeeze %dma_start3A_445 : memref<1x224x128xf32, #tpu.memory_space<vmem>> -> memref<224x128xf32, #tpu.memory_space<vmem>>
    tpu.enqueue_dma source(%dma_start3A_446 : memref<224x128xf32, #tpu.memory_space<vmem>>) target(%dma_start3A_442 : memref<224x128xf32, #tpu.memory_space<hbm>>) target_semaphore(%arg14 : memref<!tpu.dma_semaphore, #tpu.memory_space<semaphore_mem>>)
    %dma_wait3A_447 = arith.constant 2 : i32
    %dma_wait3A_448 = arith.constant 0 : i32
    %dma_wait3A_449 = arith.constant 0 : i32
    %dma_wait3A_450 = tpu.memref_slice %arg6[%dma_wait3A_447, %dma_wait3A_448, %dma_wait3A_449] : memref<3x224x128xf32, #tpu.memory_space<vmem>> -> memref<1x224x128xf32, #tpu.memory_space<vmem>>
    %dma_wait3A_451 = tpu.memref_squeeze %dma_wait3A_450 : memref<1x224x128xf32, #tpu.memory_space<vmem>> -> memref<224x128xf32, #tpu.memory_space<vmem>>
    %dma_wait3A_452 = arith.constant 0 : i32
    %dma_wait3A_453 = tpu.memref_slice %arg4[%add3A_433, %dma_wait3A_452] : memref<100000x128xf32, #tpu.memory_space<hbm>> -> memref<224x128xf32, #tpu.memory_space<hbm>>
    %dma_wait3A_454 = arith.constant 0 : i32
    %dma_wait3A_455 = tpu.memref_slice %arg4[%add3A_433, %dma_wait3A_454] : memref<100000x128xf32, #tpu.memory_space<hbm>> -> memref<224x128xf32, #tpu.memory_space<hbm>>
    %dma_wait3A_456 = arith.constant 0 : i32
    %dma_wait3A_457 = arith.constant 0 : i32
    %dma_wait3A_458 = tpu.memref_slice %arg6[%dma_wait3A_447, %dma_wait3A_456, %dma_wait3A_457] : memref<3x224x128xf32, #tpu.memory_space<vmem>> -> memref<1x224x128xf32, #tpu.memory_space<vmem>>
    %dma_wait3A_459 = tpu.memref_squeeze %dma_wait3A_458 : memref<1x224x128xf32, #tpu.memory_space<vmem>> -> memref<224x128xf32, #tpu.memory_space<vmem>>
    tpu.wait_dma2 semaphore(%arg14 : memref<!tpu.dma_semaphore, #tpu.memory_space<semaphore_mem>>) src(%dma_wait3A_459 : memref<224x128xf32, #tpu.memory_space<vmem>>) dst(%dma_wait3A_455 : memref<224x128xf32, #tpu.memory_space<hbm>>)
    %dma_start3A_460 = arith.constant 2 : i32
    %dma_start3A_461 = arith.constant 0 : i32
    %dma_start3A_462 = arith.constant 0 : i32
    %dma_start3A_463 = tpu.memref_slice %arg6[%dma_start3A_460, %dma_start3A_461, %dma_start3A_462] : memref<3x224x128xf32, #tpu.memory_space<vmem>> -> memref<1x224x128xf32, #tpu.memory_space<vmem>>
    %dma_start3A_464 = tpu.memref_squeeze %dma_start3A_463 : memref<1x224x128xf32, #tpu.memory_space<vmem>> -> memref<224x128xf32, #tpu.memory_space<vmem>>
    %dma_start3A_465 = arith.constant 2464 : i32
    %dma_start3A_466 = tpu.memref_slice %arg5[%dma_start3A_465] : memref<3136xi32, #tpu.memory_space<vmem>> -> memref<224xi32, #tpu.memory_space<vmem>>
    %dma_start3A_467 = arith.constant 0 : i32
    %dma_start3A_468 = arith.constant 0 : i32
    %dma_start3A_469 = tpu.memref_slice %arg7[%dma_start3A_467, %dma_start3A_468] : memref<94x128xf32, #tpu.memory_space<vmem_shared>> -> memref<94x128xf32, #tpu.memory_space<vmem_shared>>
    tpu.enqueue_indirect_dma source(%dma_start3A_469 : memref<94x128xf32, #tpu.memory_space<vmem_shared>>) target(%dma_start3A_464 : memref<224x128xf32, #tpu.memory_space<vmem>>) offsets(%dma_start3A_466 : memref<224xi32, #tpu.memory_space<vmem>>) semaphore(%arg11 : memref<!tpu.dma_semaphore, #tpu.memory_space<semaphore_mem>>)
    %dma_wait3A_470 = arith.constant 0 : i32
    %dma_wait3A_471 = arith.constant 0 : i32
    %dma_wait3A_472 = arith.constant 0 : i32
    %dma_wait3A_473 = tpu.memref_slice %arg6[%dma_wait3A_470, %dma_wait3A_471, %dma_wait3A_472] : memref<3x224x128xf32, #tpu.memory_space<vmem>> -> memref<1x224x128xf32, #tpu.memory_space<vmem>>
    %dma_wait3A_474 = tpu.memref_squeeze %dma_wait3A_473 : memref<1x224x128xf32, #tpu.memory_space<vmem>> -> memref<224x128xf32, #tpu.memory_space<vmem>>
    %dma_wait3A_475 = arith.constant 2016 : i32
    %dma_wait3A_476 = tpu.memref_slice %arg5[%dma_wait3A_475] : memref<3136xi32, #tpu.memory_space<vmem>> -> memref<224xi32, #tpu.memory_space<vmem>>
    %dma_wait3A_477 = arith.constant 0 : i32
    %dma_wait3A_478 = arith.constant 0 : i32
    %dma_wait3A_479 = tpu.memref_slice %arg7[%dma_wait3A_477, %dma_wait3A_478] : memref<94x128xf32, #tpu.memory_space<vmem_shared>> -> memref<94x128xf32, #tpu.memory_space<vmem_shared>>
    tpu.wait_indirect_dma semaphore(%arg9 : memref<!tpu.dma_semaphore, #tpu.memory_space<semaphore_mem>>) src(%dma_wait3A_479 : memref<94x128xf32, #tpu.memory_space<vmem_shared>>) dst(%dma_wait3A_474 : memref<224x128xf32, #tpu.memory_space<vmem>>)
    %add3A_480 = arith.constant 2016 : i32
    %add3A_481 = arith.addi %min3A_3, %add3A_480 : i32
    %dma_start3A_482 = arith.constant 0 : i32
    %dma_start3A_483 = arith.constant 0 : i32
    %dma_start3A_484 = arith.constant 0 : i32
    %dma_start3A_485 = tpu.memref_slice %arg6[%dma_start3A_482, %dma_start3A_483, %dma_start3A_484] : memref<3x224x128xf32, #tpu.memory_space<vmem>> -> memref<1x224x128xf32, #tpu.memory_space<vmem>>
    %dma_start3A_486 = tpu.memref_squeeze %dma_start3A_485 : memref<1x224x128xf32, #tpu.memory_space<vmem>> -> memref<224x128xf32, #tpu.memory_space<vmem>>
    %dma_start3A_487 = arith.constant 0 : i32
    %dma_start3A_488 = tpu.memref_slice %arg4[%add3A_481, %dma_start3A_487] : memref<100000x128xf32, #tpu.memory_space<hbm>> -> memref<224x128xf32, #tpu.memory_space<hbm>>
    %dma_start3A_489 = arith.constant 0 : i32
    %dma_start3A_490 = tpu.memref_slice %arg4[%add3A_481, %dma_start3A_489] : memref<100000x128xf32, #tpu.memory_space<hbm>> -> memref<224x128xf32, #tpu.memory_space<hbm>>
    %dma_start3A_491 = arith.constant 0 : i32
    %dma_start3A_492 = arith.constant 0 : i32
    %dma_start3A_493 = tpu.memref_slice %arg6[%dma_start3A_482, %dma_start3A_491, %dma_start3A_492] : memref<3x224x128xf32, #tpu.memory_space<vmem>> -> memref<1x224x128xf32, #tpu.memory_space<vmem>>
    %dma_start3A_494 = tpu.memref_squeeze %dma_start3A_493 : memref<1x224x128xf32, #tpu.memory_space<vmem>> -> memref<224x128xf32, #tpu.memory_space<vmem>>
    tpu.enqueue_dma source(%dma_start3A_494 : memref<224x128xf32, #tpu.memory_space<vmem>>) target(%dma_start3A_490 : memref<224x128xf32, #tpu.memory_space<hbm>>) target_semaphore(%arg12 : memref<!tpu.dma_semaphore, #tpu.memory_space<semaphore_mem>>)
    %dma_wait3A_495 = arith.constant 0 : i32
    %dma_wait3A_496 = arith.constant 0 : i32
    %dma_wait3A_497 = arith.constant 0 : i32
    %dma_wait3A_498 = tpu.memref_slice %arg6[%dma_wait3A_495, %dma_wait3A_496, %dma_wait3A_497] : memref<3x224x128xf32, #tpu.memory_space<vmem>> -> memref<1x224x128xf32, #tpu.memory_space<vmem>>
    %dma_wait3A_499 = tpu.memref_squeeze %dma_wait3A_498 : memref<1x224x128xf32, #tpu.memory_space<vmem>> -> memref<224x128xf32, #tpu.memory_space<vmem>>
    %dma_wait3A_500 = arith.constant 0 : i32
    %dma_wait3A_501 = tpu.memref_slice %arg4[%add3A_481, %dma_wait3A_500] : memref<100000x128xf32, #tpu.memory_space<hbm>> -> memref<224x128xf32, #tpu.memory_space<hbm>>
    %dma_wait3A_502 = arith.constant 0 : i32
    %dma_wait3A_503 = tpu.memref_slice %arg4[%add3A_481, %dma_wait3A_502] : memref<100000x128xf32, #tpu.memory_space<hbm>> -> memref<224x128xf32, #tpu.memory_space<hbm>>
    %dma_wait3A_504 = arith.constant 0 : i32
    %dma_wait3A_505 = arith.constant 0 : i32
    %dma_wait3A_506 = tpu.memref_slice %arg6[%dma_wait3A_495, %dma_wait3A_504, %dma_wait3A_505] : memref<3x224x128xf32, #tpu.memory_space<vmem>> -> memref<1x224x128xf32, #tpu.memory_space<vmem>>
    %dma_wait3A_507 = tpu.memref_squeeze %dma_wait3A_506 : memref<1x224x128xf32, #tpu.memory_space<vmem>> -> memref<224x128xf32, #tpu.memory_space<vmem>>
    tpu.wait_dma2 semaphore(%arg12 : memref<!tpu.dma_semaphore, #tpu.memory_space<semaphore_mem>>) src(%dma_wait3A_507 : memref<224x128xf32, #tpu.memory_space<vmem>>) dst(%dma_wait3A_503 : memref<224x128xf32, #tpu.memory_space<hbm>>)
    %dma_start3A_508 = arith.constant 0 : i32
    %dma_start3A_509 = arith.constant 0 : i32
    %dma_start3A_510 = arith.constant 0 : i32
    %dma_start3A_511 = tpu.memref_slice %arg6[%dma_start3A_508, %dma_start3A_509, %dma_start3A_510] : memref<3x224x128xf32, #tpu.memory_space<vmem>> -> memref<1x224x128xf32, #tpu.memory_space<vmem>>
    %dma_start3A_512 = tpu.memref_squeeze %dma_start3A_511 : memref<1x224x128xf32, #tpu.memory_space<vmem>> -> memref<224x128xf32, #tpu.memory_space<vmem>>
    %dma_start3A_513 = arith.constant 2688 : i32
    %dma_start3A_514 = tpu.memref_slice %arg5[%dma_start3A_513] : memref<3136xi32, #tpu.memory_space<vmem>> -> memref<224xi32, #tpu.memory_space<vmem>>
    %dma_start3A_515 = arith.constant 0 : i32
    %dma_start3A_516 = arith.constant 0 : i32
    %dma_start3A_517 = tpu.memref_slice %arg7[%dma_start3A_515, %dma_start3A_516] : memref<94x128xf32, #tpu.memory_space<vmem_shared>> -> memref<94x128xf32, #tpu.memory_space<vmem_shared>>
    tpu.enqueue_indirect_dma source(%dma_start3A_517 : memref<94x128xf32, #tpu.memory_space<vmem_shared>>) target(%dma_start3A_512 : memref<224x128xf32, #tpu.memory_space<vmem>>) offsets(%dma_start3A_514 : memref<224xi32, #tpu.memory_space<vmem>>) semaphore(%arg9 : memref<!tpu.dma_semaphore, #tpu.memory_space<semaphore_mem>>)
    %dma_wait3A_518 = arith.constant 1 : i32
    %dma_wait3A_519 = arith.constant 0 : i32
    %dma_wait3A_520 = arith.constant 0 : i32
    %dma_wait3A_521 = tpu.memref_slice %arg6[%dma_wait3A_518, %dma_wait3A_519, %dma_wait3A_520] : memref<3x224x128xf32, #tpu.memory_space<vmem>> -> memref<1x224x128xf32, #tpu.memory_space<vmem>>
    %dma_wait3A_522 = tpu.memref_squeeze %dma_wait3A_521 : memref<1x224x128xf32, #tpu.memory_space<vmem>> -> memref<224x128xf32, #tpu.memory_space<vmem>>
    %dma_wait3A_523 = arith.constant 2240 : i32
    %dma_wait3A_524 = tpu.memref_slice %arg5[%dma_wait3A_523] : memref<3136xi32, #tpu.memory_space<vmem>> -> memref<224xi32, #tpu.memory_space<vmem>>
    %dma_wait3A_525 = arith.constant 0 : i32
    %dma_wait3A_526 = arith.constant 0 : i32
    %dma_wait3A_527 = tpu.memref_slice %arg7[%dma_wait3A_525, %dma_wait3A_526] : memref<94x128xf32, #tpu.memory_space<vmem_shared>> -> memref<94x128xf32, #tpu.memory_space<vmem_shared>>
    tpu.wait_indirect_dma semaphore(%arg10 : memref<!tpu.dma_semaphore, #tpu.memory_space<semaphore_mem>>) src(%dma_wait3A_527 : memref<94x128xf32, #tpu.memory_space<vmem_shared>>) dst(%dma_wait3A_522 : memref<224x128xf32, #tpu.memory_space<vmem>>)
    %add3A_528 = arith.constant 2240 : i32
    %add3A_529 = arith.addi %min3A_3, %add3A_528 : i32
    %dma_start3A_530 = arith.constant 1 : i32
    %dma_start3A_531 = arith.constant 0 : i32
    %dma_start3A_532 = arith.constant 0 : i32
    %dma_start3A_533 = tpu.memref_slice %arg6[%dma_start3A_530, %dma_start3A_531, %dma_start3A_532] : memref<3x224x128xf32, #tpu.memory_space<vmem>> -> memref<1x224x128xf32, #tpu.memory_space<vmem>>
    %dma_start3A_534 = tpu.memref_squeeze %dma_start3A_533 : memref<1x224x128xf32, #tpu.memory_space<vmem>> -> memref<224x128xf32, #tpu.memory_space<vmem>>
    %dma_start3A_535 = arith.constant 0 : i32
    %dma_start3A_536 = tpu.memref_slice %arg4[%add3A_529, %dma_start3A_535] : memref<100000x128xf32, #tpu.memory_space<hbm>> -> memref<224x128xf32, #tpu.memory_space<hbm>>
    %dma_start3A_537 = arith.constant 0 : i32
    %dma_start3A_538 = tpu.memref_slice %arg4[%add3A_529, %dma_start3A_537] : memref<100000x128xf32, #tpu.memory_space<hbm>> -> memref<224x128xf32, #tpu.memory_space<hbm>>
    %dma_start3A_539 = arith.constant 0 : i32
    %dma_start3A_540 = arith.constant 0 : i32
    %dma_start3A_541 = tpu.memref_slice %arg6[%dma_start3A_530, %dma_start3A_539, %dma_start3A_540] : memref<3x224x128xf32, #tpu.memory_space<vmem>> -> memref<1x224x128xf32, #tpu.memory_space<vmem>>
    %dma_start3A_542 = tpu.memref_squeeze %dma_start3A_541 : memref<1x224x128xf32, #tpu.memory_space<vmem>> -> memref<224x128xf32, #tpu.memory_space<vmem>>
    tpu.enqueue_dma source(%dma_start3A_542 : memref<224x128xf32, #tpu.memory_space<vmem>>) target(%dma_start3A_538 : memref<224x128xf32, #tpu.memory_space<hbm>>) target_semaphore(%arg13 : memref<!tpu.dma_semaphore, #tpu.memory_space<semaphore_mem>>)
    %dma_wait3A_543 = arith.constant 1 : i32
    %dma_wait3A_544 = arith.constant 0 : i32
    %dma_wait3A_545 = arith.constant 0 : i32
    %dma_wait3A_546 = tpu.memref_slice %arg6[%dma_wait3A_543, %dma_wait3A_544, %dma_wait3A_545] : memref<3x224x128xf32, #tpu.memory_space<vmem>> -> memref<1x224x128xf32, #tpu.memory_space<vmem>>
    %dma_wait3A_547 = tpu.memref_squeeze %dma_wait3A_546 : memref<1x224x128xf32, #tpu.memory_space<vmem>> -> memref<224x128xf32, #tpu.memory_space<vmem>>
    %dma_wait3A_548 = arith.constant 0 : i32
    %dma_wait3A_549 = tpu.memref_slice %arg4[%add3A_529, %dma_wait3A_548] : memref<100000x128xf32, #tpu.memory_space<hbm>> -> memref<224x128xf32, #tpu.memory_space<hbm>>
    %dma_wait3A_550 = arith.constant 0 : i32
    %dma_wait3A_551 = tpu.memref_slice %arg4[%add3A_529, %dma_wait3A_550] : memref<100000x128xf32, #tpu.memory_space<hbm>> -> memref<224x128xf32, #tpu.memory_space<hbm>>
    %dma_wait3A_552 = arith.constant 0 : i32
    %dma_wait3A_553 = arith.constant 0 : i32
    %dma_wait3A_554 = tpu.memref_slice %arg6[%dma_wait3A_543, %dma_wait3A_552, %dma_wait3A_553] : memref<3x224x128xf32, #tpu.memory_space<vmem>> -> memref<1x224x128xf32, #tpu.memory_space<vmem>>
    %dma_wait3A_555 = tpu.memref_squeeze %dma_wait3A_554 : memref<1x224x128xf32, #tpu.memory_space<vmem>> -> memref<224x128xf32, #tpu.memory_space<vmem>>
    tpu.wait_dma2 semaphore(%arg13 : memref<!tpu.dma_semaphore, #tpu.memory_space<semaphore_mem>>) src(%dma_wait3A_555 : memref<224x128xf32, #tpu.memory_space<vmem>>) dst(%dma_wait3A_551 : memref<224x128xf32, #tpu.memory_space<hbm>>)
    %dma_start3A_556 = arith.constant 1 : i32
    %dma_start3A_557 = arith.constant 0 : i32
    %dma_start3A_558 = arith.constant 0 : i32
    %dma_start3A_559 = tpu.memref_slice %arg6[%dma_start3A_556, %dma_start3A_557, %dma_start3A_558] : memref<3x224x128xf32, #tpu.memory_space<vmem>> -> memref<1x224x128xf32, #tpu.memory_space<vmem>>
    %dma_start3A_560 = tpu.memref_squeeze %dma_start3A_559 : memref<1x224x128xf32, #tpu.memory_space<vmem>> -> memref<224x128xf32, #tpu.memory_space<vmem>>
    %dma_start3A_561 = arith.constant 2912 : i32
    %dma_start3A_562 = tpu.memref_slice %arg5[%dma_start3A_561] : memref<3136xi32, #tpu.memory_space<vmem>> -> memref<224xi32, #tpu.memory_space<vmem>>
    %dma_start3A_563 = arith.constant 0 : i32
    %dma_start3A_564 = arith.constant 0 : i32
    %dma_start3A_565 = tpu.memref_slice %arg7[%dma_start3A_563, %dma_start3A_564] : memref<94x128xf32, #tpu.memory_space<vmem_shared>> -> memref<94x128xf32, #tpu.memory_space<vmem_shared>>
    tpu.enqueue_indirect_dma source(%dma_start3A_565 : memref<94x128xf32, #tpu.memory_space<vmem_shared>>) target(%dma_start3A_560 : memref<224x128xf32, #tpu.memory_space<vmem>>) offsets(%dma_start3A_562 : memref<224xi32, #tpu.memory_space<vmem>>) semaphore(%arg10 : memref<!tpu.dma_semaphore, #tpu.memory_space<semaphore_mem>>)
    %dma_wait3A_566 = arith.constant 2 : i32
    %dma_wait3A_567 = arith.constant 0 : i32
    %dma_wait3A_568 = arith.constant 0 : i32
    %dma_wait3A_569 = tpu.memref_slice %arg6[%dma_wait3A_566, %dma_wait3A_567, %dma_wait3A_568] : memref<3x224x128xf32, #tpu.memory_space<vmem>> -> memref<1x224x128xf32, #tpu.memory_space<vmem>>
    %dma_wait3A_570 = tpu.memref_squeeze %dma_wait3A_569 : memref<1x224x128xf32, #tpu.memory_space<vmem>> -> memref<224x128xf32, #tpu.memory_space<vmem>>
    %dma_wait3A_571 = arith.constant 2464 : i32
    %dma_wait3A_572 = tpu.memref_slice %arg5[%dma_wait3A_571] : memref<3136xi32, #tpu.memory_space<vmem>> -> memref<224xi32, #tpu.memory_space<vmem>>
    %dma_wait3A_573 = arith.constant 0 : i32
    %dma_wait3A_574 = arith.constant 0 : i32
    %dma_wait3A_575 = tpu.memref_slice %arg7[%dma_wait3A_573, %dma_wait3A_574] : memref<94x128xf32, #tpu.memory_space<vmem_shared>> -> memref<94x128xf32, #tpu.memory_space<vmem_shared>>
    tpu.wait_indirect_dma semaphore(%arg11 : memref<!tpu.dma_semaphore, #tpu.memory_space<semaphore_mem>>) src(%dma_wait3A_575 : memref<94x128xf32, #tpu.memory_space<vmem_shared>>) dst(%dma_wait3A_570 : memref<224x128xf32, #tpu.memory_space<vmem>>)
    %add3A_576 = arith.constant 2464 : i32
    %add3A_577 = arith.addi %min3A_3, %add3A_576 : i32
    %dma_start3A_578 = arith.constant 2 : i32
    %dma_start3A_579 = arith.constant 0 : i32
    %dma_start3A_580 = arith.constant 0 : i32
    %dma_start3A_581 = tpu.memref_slice %arg6[%dma_start3A_578, %dma_start3A_579, %dma_start3A_580] : memref<3x224x128xf32, #tpu.memory_space<vmem>> -> memref<1x224x128xf32, #tpu.memory_space<vmem>>
    %dma_start3A_582 = tpu.memref_squeeze %dma_start3A_581 : memref<1x224x128xf32, #tpu.memory_space<vmem>> -> memref<224x128xf32, #tpu.memory_space<vmem>>
    %dma_start3A_583 = arith.constant 0 : i32
    %dma_start3A_584 = tpu.memref_slice %arg4[%add3A_577, %dma_start3A_583] : memref<100000x128xf32, #tpu.memory_space<hbm>> -> memref<224x128xf32, #tpu.memory_space<hbm>>
    %dma_start3A_585 = arith.constant 0 : i32
    %dma_start3A_586 = tpu.memref_slice %arg4[%add3A_577, %dma_start3A_585] : memref<100000x128xf32, #tpu.memory_space<hbm>> -> memref<224x128xf32, #tpu.memory_space<hbm>>
    %dma_start3A_587 = arith.constant 0 : i32
    %dma_start3A_588 = arith.constant 0 : i32
    %dma_start3A_589 = tpu.memref_slice %arg6[%dma_start3A_578, %dma_start3A_587, %dma_start3A_588] : memref<3x224x128xf32, #tpu.memory_space<vmem>> -> memref<1x224x128xf32, #tpu.memory_space<vmem>>
    %dma_start3A_590 = tpu.memref_squeeze %dma_start3A_589 : memref<1x224x128xf32, #tpu.memory_space<vmem>> -> memref<224x128xf32, #tpu.memory_space<vmem>>
    tpu.enqueue_dma source(%dma_start3A_590 : memref<224x128xf32, #tpu.memory_space<vmem>>) target(%dma_start3A_586 : memref<224x128xf32, #tpu.memory_space<hbm>>) target_semaphore(%arg14 : memref<!tpu.dma_semaphore, #tpu.memory_space<semaphore_mem>>)
    %dma_wait3A_591 = arith.constant 0 : i32
    %dma_wait3A_592 = arith.constant 0 : i32
    %dma_wait3A_593 = arith.constant 0 : i32
    %dma_wait3A_594 = tpu.memref_slice %arg6[%dma_wait3A_591, %dma_wait3A_592, %dma_wait3A_593] : memref<3x224x128xf32, #tpu.memory_space<vmem>> -> memref<1x224x128xf32, #tpu.memory_space<vmem>>
    %dma_wait3A_595 = tpu.memref_squeeze %dma_wait3A_594 : memref<1x224x128xf32, #tpu.memory_space<vmem>> -> memref<224x128xf32, #tpu.memory_space<vmem>>
    %dma_wait3A_596 = arith.constant 2688 : i32
    %dma_wait3A_597 = tpu.memref_slice %arg5[%dma_wait3A_596] : memref<3136xi32, #tpu.memory_space<vmem>> -> memref<224xi32, #tpu.memory_space<vmem>>
    %dma_wait3A_598 = arith.constant 0 : i32
    %dma_wait3A_599 = arith.constant 0 : i32
    %dma_wait3A_600 = tpu.memref_slice %arg7[%dma_wait3A_598, %dma_wait3A_599] : memref<94x128xf32, #tpu.memory_space<vmem_shared>> -> memref<94x128xf32, #tpu.memory_space<vmem_shared>>
    tpu.wait_indirect_dma semaphore(%arg9 : memref<!tpu.dma_semaphore, #tpu.memory_space<semaphore_mem>>) src(%dma_wait3A_600 : memref<94x128xf32, #tpu.memory_space<vmem_shared>>) dst(%dma_wait3A_595 : memref<224x128xf32, #tpu.memory_space<vmem>>)
    %add3A_601 = arith.constant 2688 : i32
    %add3A_602 = arith.addi %min3A_3, %add3A_601 : i32
    %dma_start3A_603 = arith.constant 0 : i32
    %dma_start3A_604 = arith.constant 0 : i32
    %dma_start3A_605 = arith.constant 0 : i32
    %dma_start3A_606 = tpu.memref_slice %arg6[%dma_start3A_603, %dma_start3A_604, %dma_start3A_605] : memref<3x224x128xf32, #tpu.memory_space<vmem>> -> memref<1x224x128xf32, #tpu.memory_space<vmem>>
    %dma_start3A_607 = tpu.memref_squeeze %dma_start3A_606 : memref<1x224x128xf32, #tpu.memory_space<vmem>> -> memref<224x128xf32, #tpu.memory_space<vmem>>
    %dma_start3A_608 = arith.constant 0 : i32
    %dma_start3A_609 = tpu.memref_slice %arg4[%add3A_602, %dma_start3A_608] : memref<100000x128xf32, #tpu.memory_space<hbm>> -> memref<224x128xf32, #tpu.memory_space<hbm>>
    %dma_start3A_610 = arith.constant 0 : i32
    %dma_start3A_611 = tpu.memref_slice %arg4[%add3A_602, %dma_start3A_610] : memref<100000x128xf32, #tpu.memory_space<hbm>> -> memref<224x128xf32, #tpu.memory_space<hbm>>
    %dma_start3A_612 = arith.constant 0 : i32
    %dma_start3A_613 = arith.constant 0 : i32
    %dma_start3A_614 = tpu.memref_slice %arg6[%dma_start3A_603, %dma_start3A_612, %dma_start3A_613] : memref<3x224x128xf32, #tpu.memory_space<vmem>> -> memref<1x224x128xf32, #tpu.memory_space<vmem>>
    %dma_start3A_615 = tpu.memref_squeeze %dma_start3A_614 : memref<1x224x128xf32, #tpu.memory_space<vmem>> -> memref<224x128xf32, #tpu.memory_space<vmem>>
    tpu.enqueue_dma source(%dma_start3A_615 : memref<224x128xf32, #tpu.memory_space<vmem>>) target(%dma_start3A_611 : memref<224x128xf32, #tpu.memory_space<hbm>>) target_semaphore(%arg12 : memref<!tpu.dma_semaphore, #tpu.memory_space<semaphore_mem>>)
    %dma_wait3A_616 = arith.constant 1 : i32
    %dma_wait3A_617 = arith.constant 0 : i32
    %dma_wait3A_618 = arith.constant 0 : i32
    %dma_wait3A_619 = tpu.memref_slice %arg6[%dma_wait3A_616, %dma_wait3A_617, %dma_wait3A_618] : memref<3x224x128xf32, #tpu.memory_space<vmem>> -> memref<1x224x128xf32, #tpu.memory_space<vmem>>
    %dma_wait3A_620 = tpu.memref_squeeze %dma_wait3A_619 : memref<1x224x128xf32, #tpu.memory_space<vmem>> -> memref<224x128xf32, #tpu.memory_space<vmem>>
    %dma_wait3A_621 = arith.constant 2912 : i32
    %dma_wait3A_622 = tpu.memref_slice %arg5[%dma_wait3A_621] : memref<3136xi32, #tpu.memory_space<vmem>> -> memref<224xi32, #tpu.memory_space<vmem>>
    %dma_wait3A_623 = arith.constant 0 : i32
    %dma_wait3A_624 = arith.constant 0 : i32
    %dma_wait3A_625 = tpu.memref_slice %arg7[%dma_wait3A_623, %dma_wait3A_624] : memref<94x128xf32, #tpu.memory_space<vmem_shared>> -> memref<94x128xf32, #tpu.memory_space<vmem_shared>>
    tpu.wait_indirect_dma semaphore(%arg10 : memref<!tpu.dma_semaphore, #tpu.memory_space<semaphore_mem>>) src(%dma_wait3A_625 : memref<94x128xf32, #tpu.memory_space<vmem_shared>>) dst(%dma_wait3A_620 : memref<224x128xf32, #tpu.memory_space<vmem>>)
    %add3A_626 = arith.constant 2912 : i32
    %add3A_627 = arith.addi %min3A_3, %add3A_626 : i32
    %dma_start3A_628 = arith.constant 1 : i32
    %dma_start3A_629 = arith.constant 0 : i32
    %dma_start3A_630 = arith.constant 0 : i32
    %dma_start3A_631 = tpu.memref_slice %arg6[%dma_start3A_628, %dma_start3A_629, %dma_start3A_630] : memref<3x224x128xf32, #tpu.memory_space<vmem>> -> memref<1x224x128xf32, #tpu.memory_space<vmem>>
    %dma_start3A_632 = tpu.memref_squeeze %dma_start3A_631 : memref<1x224x128xf32, #tpu.memory_space<vmem>> -> memref<224x128xf32, #tpu.memory_space<vmem>>
    %dma_start3A_633 = arith.constant 0 : i32
    %dma_start3A_634 = tpu.memref_slice %arg4[%add3A_627, %dma_start3A_633] : memref<100000x128xf32, #tpu.memory_space<hbm>> -> memref<224x128xf32, #tpu.memory_space<hbm>>
    %dma_start3A_635 = arith.constant 0 : i32
    %dma_start3A_636 = tpu.memref_slice %arg4[%add3A_627, %dma_start3A_635] : memref<100000x128xf32, #tpu.memory_space<hbm>> -> memref<224x128xf32, #tpu.memory_space<hbm>>
    %dma_start3A_637 = arith.constant 0 : i32
    %dma_start3A_638 = arith.constant 0 : i32
    %dma_start3A_639 = tpu.memref_slice %arg6[%dma_start3A_628, %dma_start3A_637, %dma_start3A_638] : memref<3x224x128xf32, #tpu.memory_space<vmem>> -> memref<1x224x128xf32, #tpu.memory_space<vmem>>
    %dma_start3A_640 = tpu.memref_squeeze %dma_start3A_639 : memref<1x224x128xf32, #tpu.memory_space<vmem>> -> memref<224x128xf32, #tpu.memory_space<vmem>>
    tpu.enqueue_dma source(%dma_start3A_640 : memref<224x128xf32, #tpu.memory_space<vmem>>) target(%dma_start3A_636 : memref<224x128xf32, #tpu.memory_space<hbm>>) target_semaphore(%arg13 : memref<!tpu.dma_semaphore, #tpu.memory_space<semaphore_mem>>)
    %dma_wait3A_641 = arith.constant 2 : i32
    %dma_wait3A_642 = arith.constant 0 : i32
    %dma_wait3A_643 = arith.constant 0 : i32
    %dma_wait3A_644 = tpu.memref_slice %arg6[%dma_wait3A_641, %dma_wait3A_642, %dma_wait3A_643] : memref<3x224x128xf32, #tpu.memory_space<vmem>> -> memref<1x224x128xf32, #tpu.memory_space<vmem>>
    %dma_wait3A_645 = tpu.memref_squeeze %dma_wait3A_644 : memref<1x224x128xf32, #tpu.memory_space<vmem>> -> memref<224x128xf32, #tpu.memory_space<vmem>>
    %dma_wait3A_646 = arith.constant 0 : i32
    %dma_wait3A_647 = tpu.memref_slice %arg4[%add3A_577, %dma_wait3A_646] : memref<100000x128xf32, #tpu.memory_space<hbm>> -> memref<224x128xf32, #tpu.memory_space<hbm>>
    %dma_wait3A_648 = arith.constant 0 : i32
    %dma_wait3A_649 = tpu.memref_slice %arg4[%add3A_577, %dma_wait3A_648] : memref<100000x128xf32, #tpu.memory_space<hbm>> -> memref<224x128xf32, #tpu.memory_space<hbm>>
    %dma_wait3A_650 = arith.constant 0 : i32
    %dma_wait3A_651 = arith.constant 0 : i32
    %dma_wait3A_652 = tpu.memref_slice %arg6[%dma_wait3A_641, %dma_wait3A_650, %dma_wait3A_651] : memref<3x224x128xf32, #tpu.memory_space<vmem>> -> memref<1x224x128xf32, #tpu.memory_space<vmem>>
    %dma_wait3A_653 = tpu.memref_squeeze %dma_wait3A_652 : memref<1x224x128xf32, #tpu.memory_space<vmem>> -> memref<224x128xf32, #tpu.memory_space<vmem>>
    tpu.wait_dma2 semaphore(%arg14 : memref<!tpu.dma_semaphore, #tpu.memory_space<semaphore_mem>>) src(%dma_wait3A_653 : memref<224x128xf32, #tpu.memory_space<vmem>>) dst(%dma_wait3A_649 : memref<224x128xf32, #tpu.memory_space<hbm>>)
    %dma_wait3A_654 = arith.constant 0 : i32
    %dma_wait3A_655 = arith.constant 0 : i32
    %dma_wait3A_656 = arith.constant 0 : i32
    %dma_wait3A_657 = tpu.memref_slice %arg6[%dma_wait3A_654, %dma_wait3A_655, %dma_wait3A_656] : memref<3x224x128xf32, #tpu.memory_space<vmem>> -> memref<1x224x128xf32, #tpu.memory_space<vmem>>
    %dma_wait3A_658 = tpu.memref_squeeze %dma_wait3A_657 : memref<1x224x128xf32, #tpu.memory_space<vmem>> -> memref<224x128xf32, #tpu.memory_space<vmem>>
    %dma_wait3A_659 = arith.constant 0 : i32
    %dma_wait3A_660 = tpu.memref_slice %arg4[%add3A_602, %dma_wait3A_659] : memref<100000x128xf32, #tpu.memory_space<hbm>> -> memref<224x128xf32, #tpu.memory_space<hbm>>
    %dma_wait3A_661 = arith.constant 0 : i32
    %dma_wait3A_662 = tpu.memref_slice %arg4[%add3A_602, %dma_wait3A_661] : memref<100000x128xf32, #tpu.memory_space<hbm>> -> memref<224x128xf32, #tpu.memory_space<hbm>>
    %dma_wait3A_663 = arith.constant 0 : i32
    %dma_wait3A_664 = arith.constant 0 : i32
    %dma_wait3A_665 = tpu.memref_slice %arg6[%dma_wait3A_654, %dma_wait3A_663, %dma_wait3A_664] : memref<3x224x128xf32, #tpu.memory_space<vmem>> -> memref<1x224x128xf32, #tpu.memory_space<vmem>>
    %dma_wait3A_666 = tpu.memref_squeeze %dma_wait3A_665 : memref<1x224x128xf32, #tpu.memory_space<vmem>> -> memref<224x128xf32, #tpu.memory_space<vmem>>
    tpu.wait_dma2 semaphore(%arg12 : memref<!tpu.dma_semaphore, #tpu.memory_space<semaphore_mem>>) src(%dma_wait3A_666 : memref<224x128xf32, #tpu.memory_space<vmem>>) dst(%dma_wait3A_662 : memref<224x128xf32, #tpu.memory_space<hbm>>)
    %dma_wait3A_667 = arith.constant 1 : i32
    %dma_wait3A_668 = arith.constant 0 : i32
    %dma_wait3A_669 = arith.constant 0 : i32
    %dma_wait3A_670 = tpu.memref_slice %arg6[%dma_wait3A_667, %dma_wait3A_668, %dma_wait3A_669] : memref<3x224x128xf32, #tpu.memory_space<vmem>> -> memref<1x224x128xf32, #tpu.memory_space<vmem>>
    %dma_wait3A_671 = tpu.memref_squeeze %dma_wait3A_670 : memref<1x224x128xf32, #tpu.memory_space<vmem>> -> memref<224x128xf32, #tpu.memory_space<vmem>>
    %dma_wait3A_672 = arith.constant 0 : i32
    %dma_wait3A_673 = tpu.memref_slice %arg4[%add3A_627, %dma_wait3A_672] : memref<100000x128xf32, #tpu.memory_space<hbm>> -> memref<224x128xf32, #tpu.memory_space<hbm>>
    %dma_wait3A_674 = arith.constant 0 : i32
    %dma_wait3A_675 = tpu.memref_slice %arg4[%add3A_627, %dma_wait3A_674] : memref<100000x128xf32, #tpu.memory_space<hbm>> -> memref<224x128xf32, #tpu.memory_space<hbm>>
    %dma_wait3A_676 = arith.constant 0 : i32
    %dma_wait3A_677 = arith.constant 0 : i32
    %dma_wait3A_678 = tpu.memref_slice %arg6[%dma_wait3A_667, %dma_wait3A_676, %dma_wait3A_677] : memref<3x224x128xf32, #tpu.memory_space<vmem>> -> memref<1x224x128xf32, #tpu.memory_space<vmem>>
    %dma_wait3A_679 = tpu.memref_squeeze %dma_wait3A_678 : memref<1x224x128xf32, #tpu.memory_space<vmem>> -> memref<224x128xf32, #tpu.memory_space<vmem>>
    tpu.wait_dma2 semaphore(%arg13 : memref<!tpu.dma_semaphore, #tpu.memory_space<semaphore_mem>>) src(%dma_wait3A_679 : memref<224x128xf32, #tpu.memory_space<vmem>>) dst(%dma_wait3A_675 : memref<224x128xf32, #tpu.memory_space<hbm>>)
    return
  }
}

</mosaic_0001>

<sc_bundles>
// kernel: kernel.3.cloned.1.call-start
scs
__scs_entry_jumppad:
0x0: {  	(pc) =	sbr.rel $0x88, $3  }
0x1: {  	(tag) =	ssettag $0x0;
	lr =	simm.s32 $0x1  }
0x2: {  	[smem:$0x3F9F] =	sst lr;
	_ =	strace $0xD0000000  }
0x3: {  	_ = 	snop  }
0x4: {  	_ = 	snop  }
0x5: {  	_ = 	snop  }
0x6: {  	_ = 	snop  }
0x7: {  	_ = 	snop  }
__scs_overlays_trampoline_lowered:
0x8: {  	[smem:$0x3FAE] =	sst s0  }
0x9: {  	[smem:$0x3FAF] =	sst s1  }
0xa: {  	[smem:$0x3FB0] =	sst s2  }
0xb: {  	[smem:$0x3FB1] =	sst s3  }
0xc: {  	[smem:$0x3FB2] =	sst s4  }
0xd: {  	[smem:$0x3FB3] =	sst s5  }
0xe: {  	[smem:$0x3FB4] =	sst s6  }
0xf: {  	[smem:$0x3FB5] =	sst s7  }
0x10: {  	[smem:$0x3FB6] =	sst s8  }
0x11: {  	[smem:$0x3FB7] =	sst s9;
	s0 =	simm.s32 @!p0 $0x0  }
0x12: {  	s1 =	sld [smem:$0x3F9D];
	s0 =	simm.s32 @p0 $0x1  }
0x13: {  	[smem:$0x3FB8] =	sst s0;
	s0 =	simm.s32 @!p1 $0x0  }
0x14: {  	s2 =	sld [smem:$0x3F9C];
	s0 =	simm.s32 @p1 $0x1  }
0x15: {  	[smem:$0x3FB9] =	sst s0;
	s0 =	simm.s32 @!p2 $0x0  }
0x16: {  	s3 =	sld [smem:$0x3FDB];
	s0 =	simm.s32 @p2 $0x1  }
0x17: {  	s4 =	simm.s32 $0x1BF5;
	[smem:$0x3FBB] =	sst s0  }
0x18: {  	s0 =	sld [smem:$0x3F9E];
	_ =	swait.ge [sflag:s4], $0x0  }
0x19: {  	s7 =	sld [smem:$0x3F9F]  }
0x1a: {  	s8 =	sadd.s32 $0xFFFFE003, lr  }
0x1b: {  	s9 =	sadd.s32 $0xFFFFFEF7, lr;
	s5 =	simm.s32 $0xFFFFFFFF;
	p2 =	slt.u32 s8, $0xFFFFF086  }
0x1c: {  	p1 =	slt.u32 s9, $0xF7A;
	s5 =	simm.s32 @!p2 $0x0  }
0x1d: {  	s5 =	simm.s32 @p1 $0x1;
	p0 =	seq.s32 s7, s2  }
0x1e: {  	s7 =	smul.u32 @!p0 $0xF7A, s2;
	p2 =	seq.s32 @!p0 s5, $0x0  }
0x1f: {  	s9 =	smul.u32 $0xF7A, s1;
	s8 =	simm.s32 @!p0 $0x1BF5;
	p2 =	por !p2, p0  }
0x20: {  	[sflag:s8] =	ssyncset.s32 @!p0 $0xFFFFF086;
	s6 =	sadd.s32 @!p0 s3, s7;
	s7 =	simm.s32 @!p0 $0x108  }
0x21: {  	s3 =	sadd.s32 s3, s9;
	s6 =	sadd.s32 @!p0 $0x88, s6;
	s7 =	simm.s32 @p2 $0x1082  }
0x22: {  	[simem:s7], [sflag:s8] =	dma.local @!p0 [hbm:s6], $0xF7A  }
0x23: {  	s9 =	sor.u32 $0xD0000000, s2;
	s6 =	simm.s32 $0x108;
	_ =	swait.ge @!p0 [sflag:s8], $0x0  }
0x24: {  	s3 =	sadd.s32 $0x88, s3;
	s6 =	simm.s32 @!p1 $0x1082;
	[sflag:s4] =	ssyncset.s32 $0xFFFFF086  }
0x25: {  	[simem:s6], [sflag:s4] =	dma.local [hbm:s3], $0xF7A  }
0x26: {  	[smem:$0x3F9F] =	sst s1;
	(tag) =	ssettag s2;
	_ =	strace s9  }
0x27: {  	s1 =	sld [smem:$0x3FAF]  }
0x28: {  	s2 =	sld [smem:$0x3FB0]  }
0x29: {  	s4 =	sld [smem:$0x3FB2]  }
0x2a: {  	p0 =	seq.s32 s5, $0x0;
	s5 =	sld [smem:$0x3FB3]  }
0x2b: {  	s6 =	sld [smem:$0x3FB4]  }
0x2c: {  	s7 =	sld [smem:$0x3FB5]  }
0x2d: {  	s3 =	simm.s32 $0x108;
	s8 =	sld [smem:$0x3FB6]  }
0x2e: {  	s3 =	simm.s32 @!p0 $0x1082;
	s9 =	sld [smem:$0x3FB7]  }
0x2f: {  	lr =	sadd.s32 s0, s3;
	s0 =	sld [smem:$0x3FAE]  }
0x30: {  	s3 =	sld [smem:$0x3FB1]  }
0x31: {  	[smem:$0x3FBA] =	sst s10  }
0x32: {  	s10 =	sld [smem:$0x3FB8];
	_ =	sdelay $0x3  }
0x33: {  	p0 =	seq.s32 s10, $0x1;
	s10 =	sld [smem:$0x3FBA];
	_ =	sdelay $0x3  }
0x34: {  	[smem:$0x3FBA] =	sst s10  }
0x35: {  	s10 =	sld [smem:$0x3FB9];
	_ =	sdelay $0x3  }
0x36: {  	p1 =	seq.s32 s10, $0x1;
	s10 =	sld [smem:$0x3FBA];
	_ =	sdelay $0x3  }
0x37: {  	[smem:$0x3FBA] =	sst s10  }
0x38: {  	s10 =	sld [smem:$0x3FBB]  }
0x39: {  	_ = 	snop;
	(pc) =	sbr.ind lr, $3  }
0x3a: {  	_ = 	snop  }
0x3b: {  	_ = 	snop  }
0x3c: {  	p2 =	seq.s32 s10, $0x1;
	s10 =	sld [smem:$0x3FBA]  }
0x3d: {  	_ =	shalt  }
0x3e: {  	_ =	shalt  }
0x3f: {  	_ =	shalt  }
0x40: {  	_ =	shalt  }
0x41: {  	_ =	shalt  }
0x42: {  	_ =	shalt  }
0x43: {  	_ =	shalt  }
0x44: {  	_ =	shalt  }
0x45: {  	_ =	shalt  }
0x46: {  	_ =	shalt  }
0x47: {  	_ =	shalt  }
0x48: {  	_ =	shalt  }
0x49: {  	_ =	shalt  }
0x4a: {  	_ =	shalt  }
0x4b: {  	_ =	shalt  }
0x4c: {  	_ =	shalt  }
0x4d: {  	_ =	shalt  }
0x4e: {  	_ =	shalt  }
0x4f: {  	_ =	shalt  }
0x50: {  	_ =	shalt  }
0x51: {  	_ =	shalt  }
0x52: {  	_ =	shalt  }
0x53: {  	_ =	shalt  }
0x54: {  	_ =	shalt  }
0x55: {  	_ =	shalt  }
0x56: {  	_ =	shalt  }
0x57: {  	_ =	shalt  }
0x58: {  	_ =	shalt  }
0x59: {  	_ =	shalt  }
0x5a: {  	_ =	shalt  }
0x5b: {  	_ =	shalt  }
0x5c: {  	_ =	shalt  }
0x5d: {  	_ =	shalt  }
0x5e: {  	_ =	shalt  }
0x5f: {  	_ =	shalt  }
0x60: {  	_ =	shalt  }
0x61: {  	_ =	shalt  }
0x62: {  	_ =	shalt  }
0x63: {  	_ =	shalt  }
0x64: {  	_ =	shalt  }
0x65: {  	_ =	shalt  }
0x66: {  	_ =	shalt  }
0x67: {  	_ =	shalt  }
0x68: {  	_ =	shalt  }
0x69: {  	_ =	shalt  }
0x6a: {  	_ =	shalt  }
0x6b: {  	_ =	shalt  }
0x6c: {  	_ =	shalt  }
0x6d: {  	_ =	shalt  }
0x6e: {  	_ =	shalt  }
0x6f: {  	_ =	shalt  }
0x70: {  	_ =	shalt  }
0x71: {  	_ =	shalt  }
0x72: {  	_ =	shalt  }
0x73: {  	_ =	shalt  }
0x74: {  	_ =	shalt  }
0x75: {  	_ =	shalt  }
0x76: {  	_ =	shalt  }
0x77: {  	_ =	shalt  }
0x78: {  	_ =	shalt  }
0x79: {  	_ =	shalt  }
0x7a: {  	_ =	shalt  }
0x7b: {  	_ =	shalt  }
0x7c: {  	_ =	shalt  }
0x7d: {  	_ =	shalt  }
0x7e: {  	_ =	shalt  }
0x7f: {  	_ =	shalt  }
0x80: {  	_ =	shalt  }
0x81: {  	_ =	shalt  }
0x82: {  	_ =	shalt  }
0x83: {  	_ =	shalt  }
0x84: {  	_ =	shalt  }
0x85: {  	_ =	shalt  }
0x86: {  	_ =	shalt  }
0x87: {  	_ =	shalt  }
.Lfunc_end0:
.L_simem_size_0:
called_computation_lowered:
.L_overlay_start_0:
0x88: {  	s2 =	sld [smem:$0x3FD9]  }
0x89: {  	s3 =	sld [smem:$0x3FFE];
	_ =	sdelay $0x1  }
0x8a: {  	s1 =	srdreg.scid  }
0x8b: {  	s0 =	sand.u32 $0x1, s1  }
0x8c: {  	s18 =	sshll.u32 s0, $0xA;
	s2 =	sadd.s32 s3, s2  }
0x8d: {  	s2 =	sadd.s32 s2, s18  }
0x8e: {  	[smem:$0x3FC6] =	sst s2  }
0x8f: {  	_ = 	snop  }
0x90: {  	s2 =	sld [smem:$0x3FC9]  }
0x91: {  	s19 =	sld [smem:$0x3FC8]  }
0x92: {  	s4 =	sld [smem:$0x3FD0];
	(tm) =	ssettm $0x1  }
0x93: {  	s5 =	sld [smem:$0x3FFB];
	_ =	sdelay $0x3  }
0x94: {  	_ =	strace s5  }
0x95: {  	s5 =	sld [smem:$0x3FFC];
	_ =	sdelay $0x3  }
0x96: {  	_ =	strace s5  }
0x97: {  	s5 =	sld [smem:$0x3FFD];
	_ =	sdelay $0x3  }
0x98: {  	_ =	strace s5  }
0x99: {  	_ =	strace $0x8FFFFFFF  }
0x9a: {  	s20 =	sld [smem:$0x3FDB];
	_ =	sdelay $0x1  }
0x9b: {  	s6 =	simm.s32 $_scs_section_size  }
0x9c: {  	s7 =	simm.s32 $_size__tile_overlayer_lowered;
	s8 =	simm.s32 $_tile_overlayer_lowered  }
0x9d: {  	s23 =	simm.s32 $0x1BFF;
	s22 =	sshll.u32 s8, $0x1;
	s5 =	sadd.s32 s6, s20  }
0x9e: {  	s9 =	simm.s32 $0x0;
	s21 =	sshll.u32 s7, $0x1;
	s7 =	sadd.s32 s22, s5  }
0x9f: {  	[timem:s9], [sflag:s23] =	dma.local [hbm:s7], s21  }
0xa0: {  	_ =	swait.ge [sflag:s23], s21  }
0xa1: {  	s6 =	ssub.s32 $0x0, s21;
	[sflag:s23] =	ssyncset.done $0x0  }
0xa2: {  	[sflag:s23] =	ssyncadd.s32 s6;
	_ =	sdelay $0x1  }
0xa3: {  	s24 =	simm.s32 $0x1B8B  }
0xa4: {  	_ =	swait.ge [sflag:s24], $0x1  }
0xa5: {  	[sflag:s24] =	ssyncset.done $0x0  }
0xa6: {  	s25 =	simm.s32 $0x1B8E;
	[sflag:s24] =	ssyncadd.s32 $0xFFFFFFFF  }
0xa7: {  	s26 =	simm.s32 $execute0_lowered;
	[smem:$0x3FD2] =	sst s25  }
0xa8: {  	s6 =	sshll.u32 s26, $0x1;
	_ =	strace $0x80000046;
	[dreg:$0x1] =	wrdreg $0xFFFFFFFF  }
0xa9: {  	s28 =	simm.s32 $_size_execute0_lowered;
	s5 =	sadd.s32 s5, s6;
	[dreg:$0x0] =	wrdreg $0x0  }
0xaa: {  	s6 =	sshll.u32 s28, $0x1;
	[dreg:$0x2] =	wrdreg s5  }
0xab: {  	[dreg:$0x3] =	wrdreg s6  }
0xac: {  	[dreg:$0x4] =	wrdreg $0xC0  }
0xad: {  	_ =	task [dreg:s9], $0x5FFFF  }
0xae: {  	[dreg:$0x1] =	wrdreg $0xFFFFFFFF  }
0xaf: {  	[dreg:$0x0] =	wrdreg $0x60  }
0xb0: {  	[dreg:$0x2] =	wrdreg s2  }
0xb1: {  	[dreg:$0x3] =	wrdreg s19  }
0xb2: {  	[dreg:$0x4] =	wrdreg s4  }
0xb3: {  	[dreg:$0x5] =	wrdreg $0x15C800  }
0xb4: {  	[dreg:$0x6] =	wrdreg $0x9  }
0xb5: {  	_ =	task.clear_ibuf [dreg:s9], $0x7FFFF;
	_ =	strace $0x90000046  }
0xb6: {  	s29 =	simm.s32 $0x9;
	_ =	strace $0x80000048  }
0xb7: {  	_ =	swait.ge [sflag:s29], $0x1  }
0xb8: {  	[sflag:s29] =	ssyncadd.s32 $0xFFFFFFFF  }
0xb9: {  	_ =	strace $0x90000048  }
0xba: {  	_ =	sfence  }
0xbb: {  	s30 =	sld [smem:$0x0];
	_ =	sdelay $0x2  }
0xbc: {  	s31 =	sshll.u32 s1, $0xD;
	s1 =	sshrl.u32 s1, $0x2  }
0xbd: {  	s3 =	sand.u32 $0x4000, s31;
	s1 =	sadd.s32 s1, s30  }
0xbe: {  	s0 =	sor.u32 s3, s0;
	s1 =	sshll.u32 s1, $0x11  }
0xbf: {  	s0 =	sor.u32 s1, s0  }
0xc0: {  	s0 =	sadd.s32 $0x8F2B, s0  }
0xc1: {  	[sflag:s0] =	ssyncadd.remote.s32 $0x1  }
0xc2: {  	_ =	sfence.sel $0xFFFF  }
0xc3: {  	[dreg:$0x0] =	wrdreg $0xFFFFFFFF;
	(pc) =	sbr.abs _section_cstart, $3  }
0xc4: {  	[dreg:$0x1] =	wrdreg $0xFFFFFFFF  }
0xc5: {  	_ =	task.clear_ibuf [dreg:s9], $0x2FFFF;
	_ =	strace $0x9FFFFFFF  }
0xc6: {  	(tm) =	ssettm $0x7FFFFFFF  }
0xc7: {  	_ =	shalt  }
tec
execute0_lowered:
.L_overlay_start_1:
0x0: {  	(tag) =	ssettag $0x1  }
0x1: {  	s0 =	rddreg [dreg:$0x0];
	s1 =	srdreg.scid  }
0x2: {  	s3 =	stileid.u32;
	s2 =	rddreg [dreg:$0x1]  }
0x3: {  	s5 =	rddreg [dreg:$0x2];
	s4 =	sand.u32 $0x1, s1;
	s11 =	sshll.u32 s3, $0x1  }
0x4: {  	s30 =	rddreg [dreg:$0x4];
	s1 =	sor.u32 s4, s11  }
0x5: {  	s10 =	simm.s32 $0xEC80;
	s9 =	simm.s32 $0x2;
	s6 =	smul.u32 $0xC40, s1  }
0x6: {  	s8 =	simm.s32 $0x7;
	p1 =	por $0x0, $0x0;
	[dreg:$0x5] =	wrdreg s2  }
0x7: {  	s2 =	rddreg [dreg:$0x3];
	p0 =	sne.s32 s3, $0x0;
	s6 =	smin.u32 s6, $0x17A60  }
0x8: {  	s3 =	simm.s32 $0x5;
	s1 =	simm.s32 $0x0;
	s7 =	sshrl.u32 s6, $0x3  }
0x9: {  	[smem:$0x7FF] =	sst s1;
	s6 =	sshll.u32 s6, $0x4;
	s0 =	sadd.s32 s0, s7  }
0xa: {  	_ =	strace $0x80000047;
	s18 =	sadd.s32 s5, s6;
	[dreg:$0x6] =	wrdreg s0  }
0xb: {  	s4 =	ssub.s32 $0x2, s4;
	s12 =	sadd.s32 $0xE00, s18;
	s0 =	rddreg [dreg:$0x5]  }
0xc: {  	s28 =	sshrl.u32 @!p0 s2, $0x3;
	s13 =	sadd.s32 $0x1C00, s18;
	[dreg:$0x7] =	wrdreg s12  }
0xd: {  	s11 =	simm.s32 $0xE0;
	s14 =	sadd.s32 $0x2A00, s18;
	[dreg:$0x8] =	wrdreg s13  }
0xe: {  	s23 =	sshrl.u32 s4, $0x1;
	s15 =	sadd.s32 $0x3800, s18;
	[dreg:$0x9] =	wrdreg s14  }
0xf: {  	s4 =	ssub.s32 s4, s23;
	s16 =	sadd.s32 $0x4600, s18;
	[dreg:$0xa] =	wrdreg s15  }
0x10: {  	s23 =	simm.s32 $0x380;
	s17 =	sadd.s32 $0x5400, s18;
	[dreg:$0xb] =	wrdreg s16  }
0x11: {  	s29 =	smax.u32 s4, $0x1;
	s19 =	sadd.s32 $0x6200, s18;
	[dreg:$0xc] =	wrdreg s17  }
0x12: {  	s4 =	simm.s32 $0x6;
	s20 =	sadd.s32 $0x7000, s18;
	[dreg:$0xd] =	wrdreg s19  }
0x13: {  	s31 =	sadd.s32 $0xFFFFFFFF, s29;
	s21 =	sadd.s32 $0x7E00, s18;
	[dreg:$0xe] =	wrdreg s20  }
0x14: {  	s6 =	simm.s32 $0xC80;
	s22 =	sadd.s32 $0x8C00, s18;
	[dreg:$0xf] =	wrdreg s21  }
0x15: {  	s5 =	simm.s32 $0x7C80;
	s24 =	sadd.s32 $0x9A00, s18;
	[dreg:$0x10] =	wrdreg s22  }
0x16: {  	s7 =	simm.s32 $0x3;
	s25 =	sadd.s32 $0xA800, s18;
	[dreg:$0x11] =	wrdreg s24  }
0x17: {  	p2 =	sne.s32 s31, $0x0;
	s26 =	sadd.s32 $0xB600, s18;
	[dreg:$0x12] =	wrdreg s25  }
.Ltmp0:
0x18: {  	[dreg:$0x13] =	wrdreg s26;
	s25 =	simm.s32 $0x1;
	(pc) =	sbr.rel @!p2 .LBB2_5-.Ltmp0, $4  }
0x19: {  	s26 =	simm.s32 $0x1C0;
	s24 =	simm.s32 $0x2A0;
	s12 =	simm.s32 $0x4  }
0x1a: {  	s22 =	simm.s32 $0x460;
	s21 =	simm.s32 $0x540;
	s20 =	simm.s32 $0x620  }
0x1b: {  	s19 =	simm.s32 $0x700;
	s17 =	simm.s32 $0x7E0;
	s16 =	simm.s32 $0x8C0  }
0x1c: {  	s15 =	simm.s32 $0x9A0;
	s14 =	simm.s32 $0xA80;
	s13 =	simm.s32 $0xB60  }
0x1d: {  	s29 =	simm.s32 @!p0 $0x1C08;
	s30 =	simm.s32 @!p0 $0x8  }
0x1e: {  	[spmem:s28], [sflag:s29] =	dma.local @!p0 [hbm:s0], $0x5E0  }
0x1f: {  	_ =	swait.ge @!p0 [sflag:s30], $0x5E0  }
0x20: {  	[sflag:s30] =	ssyncset.done @!p0 $0x0  }
0x21: {  	s0 =	rddreg [dreg:$0x6];
	[sflag:s30] =	ssyncadd.s32 @!p0 $0xFFFFFA20  }
0x22: {  	[tilespmem:s1], [sflag:$0x1] =	stream.linear.gather [hbm4b:s0+s1], $0xC40, $0x38;
	[tilespmem:$0x15F70] =	vst v63  }
0x23: {  	_ =	swait.ge [sflag:s25], $0xC40  }
0x24: {  	[sflag:s25] =	ssyncset.done $0x0  }
0x25: {  	[sflag:s25] =	ssyncadd.s32 $0xFFFFF3C0  }
0x26: {  	[bflag:$0x0] =	sbarrier.arrive $0xFFFF  }
0x27: {  	[tilespmem:s6], [sflag:$0x2] =	stream.indirect.gather [spmem:s2], $0x80, s1, s11, $0xb8;
	[tilespmem:$0x15F70] =	vst v63  }
0x28: {  	_ = 	snop  }
0x29: {  	[tilespmem:s5], [sflag:$0x3] =	stream.indirect.gather [spmem:s2], $0x80, s11, s11, $0xb8;
	[tilespmem:$0x15F70] =	vst v63  }
0x2a: {  	_ = 	snop  }
0x2b: {  	[tilespmem:s10], [sflag:$0x4] =	stream.indirect.gather [spmem:s2], $0x80, s26, s11, $0xb8;
	[tilespmem:$0x15F70] =	vst v63  }
0x2c: {  	_ =	swait.ge [sflag:s9], $0x7000  }
0x2d: {  	[sflag:s9] =	ssyncset.done $0x0  }
0x2e: {  	[sflag:s9] =	ssyncadd.s32 $0xFFFF9000  }
0x2f: {  	[hbm4b:s18+s1] =	stream.linear.scatter [tilespmem:s6], [sflag:$0x5], $0x7000, $0x38;
	[tilespmem:$0x15F70] =	vst v63  }
0x30: {  	_ =	swait.ge [sflag:s3], $0x7000  }
0x31: {  	[sflag:s3] =	ssyncset.done $0x0  }
0x32: {  	[sflag:s3] =	ssyncadd.s32 $0xFFFF9000  }
0x33: {  	[tilespmem:s6], [sflag:$0x2] =	stream.indirect.gather [spmem:s2], $0x80, s24, s11, $0xb8;
	[tilespmem:$0x15F70] =	vst v63  }
0x34: {  	_ =	swait.ge [sflag:s7], $0x7000  }
0x35: {  	[sflag:s7] =	ssyncset.done $0x0  }
0x36: {  	s0 =	rddreg [dreg:$0x7];
	[sflag:s7] =	ssyncadd.s32 $0xFFFF9000  }
0x37: {  	[hbm4b:s0+s1] =	stream.linear.scatter [tilespmem:s5], [sflag:$0x6], $0x7000, $0x38;
	[tilespmem:$0x15F70] =	vst v63  }
0x38: {  	_ =	swait.ge [sflag:s4], $0x7000  }
0x39: {  	[sflag:s4] =	ssyncset.done $0x0  }
0x3a: {  	[sflag:s4] =	ssyncadd.s32 $0xFFFF9000  }
0x3b: {  	[tilespmem:s5], [sflag:$0x3] =	stream.indirect.gather [spmem:s2], $0x80, s23, s11, $0xb8;
	[tilespmem:$0x15F70] =	vst v63  }
0x3c: {  	_ =	swait.ge [sflag:s12], $0x7000  }
0x3d: {  	[sflag:s12] =	ssyncset.done $0x0  }
0x3e: {  	s0 =	rddreg [dreg:$0x8];
	[sflag:s12] =	ssyncadd.s32 $0xFFFF9000  }
0x3f: {  	[hbm4b:s0+s1] =	stream.linear.scatter [tilespmem:s10], [sflag:$0x7], $0x7000, $0x38;
	[tilespmem:$0x15F70] =	vst v63  }
0x40: {  	_ =	swait.ge [sflag:s8], $0x7000  }
0x41: {  	[sflag:s8] =	ssyncset.done $0x0  }
0x42: {  	[sflag:s8] =	ssyncadd.s32 $0xFFFF9000  }
0x43: {  	[tilespmem:s10], [sflag:$0x4] =	stream.indirect.gather [spmem:s2], $0x80, s22, s11, $0xb8;
	[tilespmem:$0x15F70] =	vst v63  }
0x44: {  	_ =	swait.ge [sflag:s9], $0x7000  }
0x45: {  	[sflag:s9] =	ssyncset.done $0x0  }
0x46: {  	s0 =	rddreg [dreg:$0x9];
	[sflag:s9] =	ssyncadd.s32 $0xFFFF9000  }
0x47: {  	[hbm4b:s0+s1] =	stream.linear.scatter [tilespmem:s6], [sflag:$0x5], $0x7000, $0x38;
	[tilespmem:$0x15F70] =	vst v63  }
0x48: {  	_ =	swait.ge [sflag:s3], $0x7000  }
0x49: {  	[sflag:s3] =	ssyncset.done $0x0  }
0x4a: {  	[sflag:s3] =	ssyncadd.s32 $0xFFFF9000  }
0x4b: {  	[tilespmem:s6], [sflag:$0x2] =	stream.indirect.gather [spmem:s2], $0x80, s21, s11, $0xb8;
	[tilespmem:$0x15F70] =	vst v63  }
0x4c: {  	_ =	swait.ge [sflag:s7], $0x7000  }
0x4d: {  	[sflag:s7] =	ssyncset.done $0x0  }
0x4e: {  	s0 =	rddreg [dreg:$0xa];
	[sflag:s7] =	ssyncadd.s32 $0xFFFF9000  }
0x4f: {  	[hbm4b:s0+s1] =	stream.linear.scatter [tilespmem:s5], [sflag:$0x6], $0x7000, $0x38;
	[tilespmem:$0x15F70] =	vst v63  }
0x50: {  	_ =	swait.ge [sflag:s4], $0x7000  }
0x51: {  	[sflag:s4] =	ssyncset.done $0x0  }
0x52: {  	[sflag:s4] =	ssyncadd.s32 $0xFFFF9000  }
0x53: {  	[tilespmem:s5], [sflag:$0x3] =	stream.indirect.gather [spmem:s2], $0x80, s20, s11, $0xb8;
	[tilespmem:$0x15F70] =	vst v63  }
0x54: {  	_ =	swait.ge [sflag:s12], $0x7000  }
0x55: {  	[sflag:s12] =	ssyncset.done $0x0  }
0x56: {  	s0 =	rddreg [dreg:$0xb];
	[sflag:s12] =	ssyncadd.s32 $0xFFFF9000  }
0x57: {  	[hbm4b:s0+s1] =	stream.linear.scatter [tilespmem:s10], [sflag:$0x7], $0x7000, $0x38;
	[tilespmem:$0x15F70] =	vst v63  }
0x58: {  	_ =	swait.ge [sflag:s8], $0x7000  }
0x59: {  	[sflag:s8] =	ssyncset.done $0x0  }
0x5a: {  	[sflag:s8] =	ssyncadd.s32 $0xFFFF9000  }
0x5b: {  	[tilespmem:s10], [sflag:$0x4] =	stream.indirect.gather [spmem:s2], $0x80, s19, s11, $0xb8;
	[tilespmem:$0x15F70] =	vst v63  }
0x5c: {  	_ =	swait.ge [sflag:s9], $0x7000  }
0x5d: {  	[sflag:s9] =	ssyncset.done $0x0  }
0x5e: {  	s0 =	rddreg [dreg:$0xc];
	[sflag:s9] =	ssyncadd.s32 $0xFFFF9000  }
0x5f: {  	[hbm4b:s0+s1] =	stream.linear.scatter [tilespmem:s6], [sflag:$0x5], $0x7000, $0x38;
	[tilespmem:$0x15F70] =	vst v63  }
0x60: {  	_ =	swait.ge [sflag:s3], $0x7000  }
0x61: {  	[sflag:s3] =	ssyncset.done $0x0  }
0x62: {  	[sflag:s3] =	ssyncadd.s32 $0xFFFF9000  }
0x63: {  	[tilespmem:s6], [sflag:$0x2] =	stream.indirect.gather [spmem:s2], $0x80, s17, s11, $0xb8;
	[tilespmem:$0x15F70] =	vst v63  }
0x64: {  	_ =	swait.ge [sflag:s7], $0x7000  }
0x65: {  	[sflag:s7] =	ssyncset.done $0x0  }
0x66: {  	s0 =	rddreg [dreg:$0xd];
	[sflag:s7] =	ssyncadd.s32 $0xFFFF9000  }
0x67: {  	[hbm4b:s0+s1] =	stream.linear.scatter [tilespmem:s5], [sflag:$0x6], $0x7000, $0x38;
	[tilespmem:$0x15F70] =	vst v63  }
0x68: {  	_ =	swait.ge [sflag:s4], $0x7000  }
0x69: {  	[sflag:s4] =	ssyncset.done $0x0  }
0x6a: {  	[sflag:s4] =	ssyncadd.s32 $0xFFFF9000  }
0x6b: {  	[tilespmem:s5], [sflag:$0x3] =	stream.indirect.gather [spmem:s2], $0x80, s16, s11, $0xb8;
	[tilespmem:$0x15F70] =	vst v63  }
0x6c: {  	_ =	swait.ge [sflag:s12], $0x7000  }
0x6d: {  	[sflag:s12] =	ssyncset.done $0x0  }
0x6e: {  	s0 =	rddreg [dreg:$0xe];
	[sflag:s12] =	ssyncadd.s32 $0xFFFF9000  }
0x6f: {  	[hbm4b:s0+s1] =	stream.linear.scatter [tilespmem:s10], [sflag:$0x7], $0x7000, $0x38;
	[tilespmem:$0x15F70] =	vst v63  }
0x70: {  	_ =	swait.ge [sflag:s8], $0x7000  }
0x71: {  	[sflag:s8] =	ssyncset.done $0x0  }
0x72: {  	[sflag:s8] =	ssyncadd.s32 $0xFFFF9000  }
0x73: {  	[tilespmem:s10], [sflag:$0x4] =	stream.indirect.gather [spmem:s2], $0x80, s15, s11, $0xb8;
	[tilespmem:$0x15F70] =	vst v63  }
0x74: {  	_ =	swait.ge [sflag:s9], $0x7000  }
0x75: {  	[sflag:s9] =	ssyncset.done $0x0  }
0x76: {  	s0 =	rddreg [dreg:$0xf];
	[sflag:s9] =	ssyncadd.s32 $0xFFFF9000  }
0x77: {  	[hbm4b:s0+s1] =	stream.linear.scatter [tilespmem:s6], [sflag:$0x5], $0x7000, $0x38;
	[tilespmem:$0x15F70] =	vst v63  }
0x78: {  	_ =	swait.ge [sflag:s3], $0x7000  }
0x79: {  	[sflag:s3] =	ssyncset.done $0x0  }
0x7a: {  	[sflag:s3] =	ssyncadd.s32 $0xFFFF9000  }
0x7b: {  	[tilespmem:s6], [sflag:$0x2] =	stream.indirect.gather [spmem:s2], $0x80, s14, s11, $0xb8;
	[tilespmem:$0x15F70] =	vst v63  }
0x7c: {  	_ =	swait.ge [sflag:s7], $0x7000  }
0x7d: {  	[sflag:s7] =	ssyncset.done $0x0  }
0x7e: {  	s0 =	rddreg [dreg:$0x10];
	[sflag:s7] =	ssyncadd.s32 $0xFFFF9000  }
0x7f: {  	[hbm4b:s0+s1] =	stream.linear.scatter [tilespmem:s5], [sflag:$0x6], $0x7000, $0x38;
	[tilespmem:$0x15F70] =	vst v63  }
0x80: {  	_ =	swait.ge [sflag:s4], $0x7000  }
0x81: {  	[sflag:s4] =	ssyncset.done $0x0  }
0x82: {  	[sflag:s4] =	ssyncadd.s32 $0xFFFF9000  }
0x83: {  	[tilespmem:s5], [sflag:$0x3] =	stream.indirect.gather [spmem:s2], $0x80, s13, s11, $0xb8;
	[tilespmem:$0x15F70] =	vst v63  }
0x84: {  	_ =	swait.ge [sflag:s12], $0x7000  }
0x85: {  	[sflag:s12] =	ssyncset.done $0x0  }
0x86: {  	s0 =	rddreg [dreg:$0x11];
	[sflag:s12] =	ssyncadd.s32 $0xFFFF9000  }
0x87: {  	[hbm4b:s0+s1] =	stream.linear.scatter [tilespmem:s10], [sflag:$0x7], $0x7000, $0x38;
	[tilespmem:$0x15F70] =	vst v63  }
0x88: {  	_ =	swait.ge [sflag:s9], $0x7000  }
0x89: {  	[sflag:s9] =	ssyncset.done $0x0  }
0x8a: {  	s0 =	rddreg [dreg:$0x12];
	[sflag:s9] =	ssyncadd.s32 $0xFFFF9000  }
0x8b: {  	[hbm4b:s0+s1] =	stream.linear.scatter [tilespmem:s6], [sflag:$0x5], $0x7000, $0x38;
	[tilespmem:$0x15F70] =	vst v63  }
0x8c: {  	_ =	swait.ge [sflag:s7], $0x7000  }
0x8d: {  	[sflag:s7] =	ssyncset.done $0x0  }
0x8e: {  	s0 =	rddreg [dreg:$0x13];
	[sflag:s7] =	ssyncadd.s32 $0xFFFF9000  }
0x8f: {  	[hbm4b:s0+s1] =	stream.linear.scatter [tilespmem:s5], [sflag:$0x6], $0x7000, $0x38;
	[tilespmem:$0x15F70] =	vst v63  }
0x90: {  	_ =	swait.ge [sflag:s8], $0x7000  }
0x91: {  	s31 =	sadd.s32 $0xFFFFFFFF, s31;
	[sflag:s8] =	ssyncset.done $0x0  }
0x92: {  	p2 =	sne.s32 s31, $0x0;
	[sflag:s8] =	ssyncadd.s32 $0xFFFF9000  }
.Ltmp1:
0x93: {  	_ =	swait.ge [sflag:s3], $0x7000;
	(pc) =	sbr.rel @!p2 .LBB2_2-.Ltmp1, $4  }
0x94: {  	[sflag:s3] =	ssyncset.done $0x0  }
0x95: {  	[sflag:s3] =	ssyncadd.s32 $0xFFFF9000  }
0x96: {  	_ =	swait.ge [sflag:s4], $0x7000  }
0x97: {  	p1 =	por $0x1, $0x1;
	s0 =	rddreg [dreg:$0x5];
	[sflag:s4] =	ssyncset.done $0x0  }
.LBB2_3:
0x98: {  	[sflag:s4] =	ssyncadd.s32 $0xFFFF9000  }
0x99: {  	[spmem:s28], [sflag:s29] =	dma.local @!p0 [hbm:s0], $0x5E0  }
0x9a: {  	_ =	swait.ge @!p0 [sflag:s30], $0x5E0  }
0x9b: {  	[sflag:s30] =	ssyncset.done @!p0 $0x0  }
0x9c: {  	s0 =	rddreg [dreg:$0x6];
	[sflag:s30] =	ssyncadd.s32 @!p0 $0xFFFFFA20  }
0x9d: {  	[tilespmem:s1], [sflag:$0x1] =	stream.linear.gather [hbm4b:s0+s1], $0xC40, $0x38;
	[tilespmem:$0x15F70] =	vst v63  }
0x9e: {  	_ =	swait.ge [sflag:s25], $0xC40  }
0x9f: {  	[sflag:s25] =	ssyncset.done $0x0  }
0xa0: {  	[sflag:s25] =	ssyncadd.s32 $0xFFFFF3C0  }
0xa1: {  	[bflag:$0x0] =	sbarrier.arrive $0xFFFF  }
0xa2: {  	[tilespmem:s6], [sflag:$0x2] =	stream.indirect.gather [spmem:s2], $0x80, s1, s11, $0xb8;
	[tilespmem:$0x15F70] =	vst v63  }
0xa3: {  	_ = 	snop  }
0xa4: {  	[tilespmem:s5], [sflag:$0x3] =	stream.indirect.gather [spmem:s2], $0x80, s11, s11, $0xb8;
	[tilespmem:$0x15F70] =	vst v63  }
0xa5: {  	_ = 	snop  }
0xa6: {  	[tilespmem:s10], [sflag:$0x4] =	stream.indirect.gather [spmem:s2], $0x80, s26, s11, $0xb8;
	[tilespmem:$0x15F70] =	vst v63  }
0xa7: {  	_ =	swait.ge [sflag:s9], $0x7000  }
0xa8: {  	[sflag:s9] =	ssyncset.done $0x0  }
0xa9: {  	[sflag:s9] =	ssyncadd.s32 $0xFFFF9000  }
0xaa: {  	[hbm4b:s18+s1] =	stream.linear.scatter [tilespmem:s6], [sflag:$0x5], $0x7000, $0x38;
	[tilespmem:$0x15F70] =	vst v63  }
0xab: {  	_ =	swait.ge [sflag:s3], $0x7000  }
0xac: {  	[sflag:s3] =	ssyncset.done $0x0  }
0xad: {  	[sflag:s3] =	ssyncadd.s32 $0xFFFF9000  }
0xae: {  	[tilespmem:s6], [sflag:$0x2] =	stream.indirect.gather [spmem:s2], $0x80, s24, s11, $0xb8;
	[tilespmem:$0x15F70] =	vst v63  }
0xaf: {  	_ =	swait.ge [sflag:s7], $0x7000  }
0xb0: {  	[sflag:s7] =	ssyncset.done $0x0  }
0xb1: {  	s0 =	rddreg [dreg:$0x7];
	[sflag:s7] =	ssyncadd.s32 $0xFFFF9000  }
0xb2: {  	[hbm4b:s0+s1] =	stream.linear.scatter [tilespmem:s5], [sflag:$0x6], $0x7000, $0x38;
	[tilespmem:$0x15F70] =	vst v63  }
0xb3: {  	_ =	swait.ge [sflag:s4], $0x7000  }
0xb4: {  	[sflag:s4] =	ssyncset.done $0x0  }
0xb5: {  	[sflag:s4] =	ssyncadd.s32 $0xFFFF9000  }
0xb6: {  	[tilespmem:s5], [sflag:$0x3] =	stream.indirect.gather [spmem:s2], $0x80, s23, s11, $0xb8;
	[tilespmem:$0x15F70] =	vst v63  }
0xb7: {  	_ =	swait.ge [sflag:s12], $0x7000  }
0xb8: {  	[sflag:s12] =	ssyncset.done $0x0  }
0xb9: {  	s0 =	rddreg [dreg:$0x8];
	[sflag:s12] =	ssyncadd.s32 $0xFFFF9000  }
0xba: {  	[hbm4b:s0+s1] =	stream.linear.scatter [tilespmem:s10], [sflag:$0x7], $0x7000, $0x38;
	[tilespmem:$0x15F70] =	vst v63  }
0xbb: {  	_ =	swait.ge [sflag:s8], $0x7000  }
0xbc: {  	[sflag:s8] =	ssyncset.done $0x0  }
0xbd: {  	[sflag:s8] =	ssyncadd.s32 $0xFFFF9000  }
0xbe: {  	[tilespmem:s10], [sflag:$0x4] =	stream.indirect.gather [spmem:s2], $0x80, s22, s11, $0xb8;
	[tilespmem:$0x15F70] =	vst v63  }
0xbf: {  	_ =	swait.ge [sflag:s9], $0x7000  }
0xc0: {  	[sflag:s9] =	ssyncset.done $0x0  }
0xc1: {  	s0 =	rddreg [dreg:$0x9];
	[sflag:s9] =	ssyncadd.s32 $0xFFFF9000  }
0xc2: {  	[hbm4b:s0+s1] =	stream.linear.scatter [tilespmem:s6], [sflag:$0x5], $0x7000, $0x38;
	[tilespmem:$0x15F70] =	vst v63  }
0xc3: {  	_ =	swait.ge [sflag:s3], $0x7000  }
0xc4: {  	[sflag:s3] =	ssyncset.done $0x0  }
0xc5: {  	[sflag:s3] =	ssyncadd.s32 $0xFFFF9000  }
0xc6: {  	[tilespmem:s6], [sflag:$0x2] =	stream.indirect.gather [spmem:s2], $0x80, s21, s11, $0xb8;
	[tilespmem:$0x15F70] =	vst v63  }
0xc7: {  	_ =	swait.ge [sflag:s7], $0x7000  }
0xc8: {  	[sflag:s7] =	ssyncset.done $0x0  }
0xc9: {  	s0 =	rddreg [dreg:$0xa];
	[sflag:s7] =	ssyncadd.s32 $0xFFFF9000  }
0xca: {  	[hbm4b:s0+s1] =	stream.linear.scatter [tilespmem:s5], [sflag:$0x6], $0x7000, $0x38;
	[tilespmem:$0x15F70] =	vst v63  }
0xcb: {  	_ =	swait.ge [sflag:s4], $0x7000  }
0xcc: {  	[sflag:s4] =	ssyncset.done $0x0  }
0xcd: {  	[sflag:s4] =	ssyncadd.s32 $0xFFFF9000  }
0xce: {  	[tilespmem:s5], [sflag:$0x3] =	stream.indirect.gather [spmem:s2], $0x80, s20, s11, $0xb8;
	[tilespmem:$0x15F70] =	vst v63  }
0xcf: {  	_ =	swait.ge [sflag:s12], $0x7000  }
0xd0: {  	[sflag:s12] =	ssyncset.done $0x0  }
0xd1: {  	s0 =	rddreg [dreg:$0xb];
	[sflag:s12] =	ssyncadd.s32 $0xFFFF9000  }
0xd2: {  	[hbm4b:s0+s1] =	stream.linear.scatter [tilespmem:s10], [sflag:$0x7], $0x7000, $0x38;
	[tilespmem:$0x15F70] =	vst v63  }
0xd3: {  	_ =	swait.ge [sflag:s8], $0x7000  }
0xd4: {  	[sflag:s8] =	ssyncset.done $0x0  }
0xd5: {  	[sflag:s8] =	ssyncadd.s32 $0xFFFF9000  }
0xd6: {  	[tilespmem:s10], [sflag:$0x4] =	stream.indirect.gather [spmem:s2], $0x80, s19, s11, $0xb8;
	[tilespmem:$0x15F70] =	vst v63  }
0xd7: {  	_ =	swait.ge [sflag:s9], $0x7000  }
0xd8: {  	[sflag:s9] =	ssyncset.done $0x0  }
0xd9: {  	s0 =	rddreg [dreg:$0xc];
	[sflag:s9] =	ssyncadd.s32 $0xFFFF9000  }
0xda: {  	[hbm4b:s0+s1] =	stream.linear.scatter [tilespmem:s6], [sflag:$0x5], $0x7000, $0x38;
	[tilespmem:$0x15F70] =	vst v63  }
0xdb: {  	_ =	swait.ge [sflag:s3], $0x7000  }
0xdc: {  	[sflag:s3] =	ssyncset.done $0x0  }
0xdd: {  	[sflag:s3] =	ssyncadd.s32 $0xFFFF9000  }
0xde: {  	[tilespmem:s6], [sflag:$0x2] =	stream.indirect.gather [spmem:s2], $0x80, s17, s11, $0xb8;
	[tilespmem:$0x15F70] =	vst v63  }
0xdf: {  	_ =	swait.ge [sflag:s7], $0x7000  }
0xe0: {  	[sflag:s7] =	ssyncset.done $0x0  }
0xe1: {  	s0 =	rddreg [dreg:$0xd];
	[sflag:s7] =	ssyncadd.s32 $0xFFFF9000  }
0xe2: {  	[hbm4b:s0+s1] =	stream.linear.scatter [tilespmem:s5], [sflag:$0x6], $0x7000, $0x38;
	[tilespmem:$0x15F70] =	vst v63  }
0xe3: {  	_ =	swait.ge [sflag:s4], $0x7000  }
0xe4: {  	[sflag:s4] =	ssyncset.done $0x0  }
0xe5: {  	[sflag:s4] =	ssyncadd.s32 $0xFFFF9000  }
0xe6: {  	[tilespmem:s5], [sflag:$0x3] =	stream.indirect.gather [spmem:s2], $0x80, s16, s11, $0xb8;
	[tilespmem:$0x15F70] =	vst v63  }
0xe7: {  	_ =	swait.ge [sflag:s12], $0x7000  }
0xe8: {  	[sflag:s12] =	ssyncset.done $0x0  }
0xe9: {  	s0 =	rddreg [dreg:$0xe];
	[sflag:s12] =	ssyncadd.s32 $0xFFFF9000  }
0xea: {  	[hbm4b:s0+s1] =	stream.linear.scatter [tilespmem:s10], [sflag:$0x7], $0x7000, $0x38;
	[tilespmem:$0x15F70] =	vst v63  }
0xeb: {  	_ =	swait.ge [sflag:s8], $0x7000  }
0xec: {  	[sflag:s8] =	ssyncset.done $0x0  }
0xed: {  	[sflag:s8] =	ssyncadd.s32 $0xFFFF9000  }
0xee: {  	[tilespmem:s10], [sflag:$0x4] =	stream.indirect.gather [spmem:s2], $0x80, s15, s11, $0xb8;
	[tilespmem:$0x15F70] =	vst v63  }
0xef: {  	_ =	swait.ge [sflag:s9], $0x7000  }
0xf0: {  	[sflag:s9] =	ssyncset.done $0x0  }
0xf1: {  	s0 =	rddreg [dreg:$0xf];
	[sflag:s9] =	ssyncadd.s32 $0xFFFF9000  }
0xf2: {  	[hbm4b:s0+s1] =	stream.linear.scatter [tilespmem:s6], [sflag:$0x5], $0x7000, $0x38;
	[tilespmem:$0x15F70] =	vst v63  }
0xf3: {  	_ =	swait.ge [sflag:s3], $0x7000  }
0xf4: {  	[sflag:s3] =	ssyncset.done $0x0  }
0xf5: {  	[sflag:s3] =	ssyncadd.s32 $0xFFFF9000  }
0xf6: {  	[tilespmem:s6], [sflag:$0x2] =	stream.indirect.gather [spmem:s2], $0x80, s14, s11, $0xb8;
	[tilespmem:$0x15F70] =	vst v63  }
0xf7: {  	_ =	swait.ge [sflag:s7], $0x7000  }
0xf8: {  	[sflag:s7] =	ssyncset.done $0x0  }
0xf9: {  	s0 =	rddreg [dreg:$0x10];
	[sflag:s7] =	ssyncadd.s32 $0xFFFF9000  }
0xfa: {  	[hbm4b:s0+s1] =	stream.linear.scatter [tilespmem:s5], [sflag:$0x6], $0x7000, $0x38;
	[tilespmem:$0x15F70] =	vst v63  }
0xfb: {  	_ =	swait.ge [sflag:s4], $0x7000  }
0xfc: {  	[sflag:s4] =	ssyncset.done $0x0  }
0xfd: {  	[sflag:s4] =	ssyncadd.s32 $0xFFFF9000  }
0xfe: {  	[tilespmem:s5], [sflag:$0x3] =	stream.indirect.gather [spmem:s2], $0x80, s13, s11, $0xb8;
	[tilespmem:$0x15F70] =	vst v63  }
0xff: {  	_ =	swait.ge [sflag:s12], $0x7000  }
0x100: {  	[sflag:s12] =	ssyncset.done $0x0  }
0x101: {  	s0 =	rddreg [dreg:$0x11];
	[sflag:s12] =	ssyncadd.s32 $0xFFFF9000  }
0x102: {  	[hbm4b:s0+s1] =	stream.linear.scatter [tilespmem:s10], [sflag:$0x7], $0x7000, $0x38;
	[tilespmem:$0x15F70] =	vst v63  }
0x103: {  	_ =	swait.ge [sflag:s9], $0x7000  }
0x104: {  	[sflag:s9] =	ssyncset.done $0x0  }
0x105: {  	s0 =	rddreg [dreg:$0x12];
	[sflag:s9] =	ssyncadd.s32 $0xFFFF9000  }
0x106: {  	[hbm4b:s0+s1] =	stream.linear.scatter [tilespmem:s6], [sflag:$0x5], $0x7000, $0x38;
	[tilespmem:$0x15F70] =	vst v63  }
0x107: {  	_ =	swait.ge [sflag:s7], $0x7000  }
0x108: {  	[sflag:s7] =	ssyncset.done $0x0  }
0x109: {  	s0 =	rddreg [dreg:$0x13];
	[sflag:s7] =	ssyncadd.s32 $0xFFFF9000  }
0x10a: {  	[hbm4b:s0+s1] =	stream.linear.scatter [tilespmem:s5], [sflag:$0x6], $0x7000, $0x38;
	[tilespmem:$0x15F70] =	vst v63  }
0x10b: {  	_ =	swait.ge [sflag:s8], $0x7000  }
0x10c: {  	s31 =	sadd.s32 $0xFFFFFFFF, s31;
	[sflag:s8] =	ssyncset.done $0x0  }
0x10d: {  	p2 =	sne.s32 s31, $0x0;
	[sflag:s8] =	ssyncadd.s32 $0xFFFF9000  }
.Ltmp2:
0x10e: {  	_ =	swait.ge [sflag:s3], $0x7000;
	(pc) =	sbr.rel @p2 .LBB2_3-.Ltmp2, $4  }
0x10f: {  	[sflag:s3] =	ssyncset.done $0x0  }
0x110: {  	[sflag:s3] =	ssyncadd.s32 $0xFFFF9000  }
0x111: {  	_ =	swait.ge [sflag:s4], $0x7000  }
0x112: {  	s0 =	rddreg [dreg:$0x5];
	[sflag:s4] =	ssyncset.done $0x0  }
0x113: {  	s30 =	rddreg [dreg:$0x4]  }
.LBB2_5:
0x114: {  	[sflag:s4] =	ssyncadd.s32 @p1 $0xFFFF9000;
	s29 =	simm.s32 @!p0 $0x1C08  }
0x115: {  	[spmem:s28], [sflag:s29] =	dma.local @!p0 [hbm:s0], $0x5E0  }
0x116: {  	s0 =	simm.s32 @!p0 $0x8  }
0x117: {  	_ =	swait.ge @!p0 [sflag:s0], $0x5E0  }
0x118: {  	[sflag:s0] =	ssyncset.done @!p0 $0x0  }
0x119: {  	s31 =	rddreg [dreg:$0x6];
	[sflag:s0] =	ssyncadd.s32 @!p0 $0xFFFFFA20  }
0x11a: {  	[tilespmem:s1], [sflag:$0x1] =	stream.linear.gather [hbm4b:s31+s1], $0xC40, $0x38;
	[tilespmem:$0x15F70] =	vst v63  }
0x11b: {  	_ =	swait.ge [sflag:s25], $0xC40  }
0x11c: {  	[sflag:s25] =	ssyncset.done $0x0  }
0x11d: {  	[sflag:s25] =	ssyncadd.s32 $0xFFFFF3C0  }
0x11e: {  	[bflag:$0x0] =	sbarrier.arrive $0xFFFF  }
0x11f: {  	[tilespmem:s6], [sflag:$0x2] =	stream.indirect.gather [spmem:s2], $0x80, s1, s11, $0xb8;
	[tilespmem:$0x15F70] =	vst v63  }
0x120: {  	_ = 	snop  }
0x121: {  	[tilespmem:s5], [sflag:$0x3] =	stream.indirect.gather [spmem:s2], $0x80, s11, s11, $0xb8;
	[tilespmem:$0x15F70] =	vst v63  }
0x122: {  	_ = 	snop  }
0x123: {  	[tilespmem:s10], [sflag:$0x4] =	stream.indirect.gather [spmem:s2], $0x80, s26, s11, $0xb8;
	[tilespmem:$0x15F70] =	vst v63  }
0x124: {  	_ =	swait.ge [sflag:s9], $0x7000  }
0x125: {  	[sflag:s9] =	ssyncset.done $0x0  }
0x126: {  	[sflag:s9] =	ssyncadd.s32 $0xFFFF9000  }
0x127: {  	[hbm4b:s18+s1] =	stream.linear.scatter [tilespmem:s6], [sflag:$0x5], $0x7000, $0x38;
	[tilespmem:$0x15F70] =	vst v63  }
0x128: {  	_ =	swait.ge [sflag:s3], $0x7000  }
0x129: {  	[sflag:s3] =	ssyncset.done $0x0  }
0x12a: {  	[sflag:s3] =	ssyncadd.s32 $0xFFFF9000  }
0x12b: {  	[tilespmem:s6], [sflag:$0x2] =	stream.indirect.gather [spmem:s2], $0x80, s24, s11, $0xb8;
	[tilespmem:$0x15F70] =	vst v63  }
0x12c: {  	_ =	swait.ge [sflag:s7], $0x7000  }
0x12d: {  	[sflag:s7] =	ssyncset.done $0x0  }
0x12e: {  	s28 =	rddreg [dreg:$0x7];
	[sflag:s7] =	ssyncadd.s32 $0xFFFF9000  }
0x12f: {  	[hbm4b:s28+s1] =	stream.linear.scatter [tilespmem:s5], [sflag:$0x6], $0x7000, $0x38;
	[tilespmem:$0x15F70] =	vst v63  }
0x130: {  	_ =	swait.ge [sflag:s4], $0x7000  }
0x131: {  	[sflag:s4] =	ssyncset.done $0x0  }
0x132: {  	[sflag:s4] =	ssyncadd.s32 $0xFFFF9000  }
0x133: {  	[tilespmem:s5], [sflag:$0x3] =	stream.indirect.gather [spmem:s2], $0x80, s23, s11, $0xb8;
	[tilespmem:$0x15F70] =	vst v63  }
0x134: {  	_ =	swait.ge [sflag:s12], $0x7000  }
0x135: {  	[sflag:s12] =	ssyncset.done $0x0  }
0x136: {  	s29 =	rddreg [dreg:$0x8];
	[sflag:s12] =	ssyncadd.s32 $0xFFFF9000  }
0x137: {  	[hbm4b:s29+s1] =	stream.linear.scatter [tilespmem:s10], [sflag:$0x7], $0x7000, $0x38;
	[tilespmem:$0x15F70] =	vst v63  }
0x138: {  	_ =	swait.ge [sflag:s8], $0x7000  }
0x139: {  	[sflag:s8] =	ssyncset.done $0x0  }
0x13a: {  	[sflag:s8] =	ssyncadd.s32 $0xFFFF9000  }
0x13b: {  	[tilespmem:s10], [sflag:$0x4] =	stream.indirect.gather [spmem:s2], $0x80, s22, s11, $0xb8;
	[tilespmem:$0x15F70] =	vst v63  }
0x13c: {  	_ =	swait.ge [sflag:s9], $0x7000  }
0x13d: {  	[sflag:s9] =	ssyncset.done $0x0  }
0x13e: {  	s31 =	rddreg [dreg:$0x9];
	[sflag:s9] =	ssyncadd.s32 $0xFFFF9000  }
0x13f: {  	[hbm4b:s31+s1] =	stream.linear.scatter [tilespmem:s6], [sflag:$0x5], $0x7000, $0x38;
	[tilespmem:$0x15F70] =	vst v63  }
0x140: {  	_ =	swait.ge [sflag:s3], $0x7000  }
0x141: {  	[sflag:s3] =	ssyncset.done $0x0  }
0x142: {  	[sflag:s3] =	ssyncadd.s32 $0xFFFF9000  }
0x143: {  	[tilespmem:s6], [sflag:$0x2] =	stream.indirect.gather [spmem:s2], $0x80, s21, s11, $0xb8;
	[tilespmem:$0x15F70] =	vst v63  }
0x144: {  	_ =	swait.ge [sflag:s7], $0x7000  }
0x145: {  	[sflag:s7] =	ssyncset.done $0x0  }
0x146: {  	s18 =	rddreg [dreg:$0xa];
	[sflag:s7] =	ssyncadd.s32 $0xFFFF9000  }
0x147: {  	[hbm4b:s18+s1] =	stream.linear.scatter [tilespmem:s5], [sflag:$0x6], $0x7000, $0x38;
	[tilespmem:$0x15F70] =	vst v63  }
0x148: {  	_ =	swait.ge [sflag:s4], $0x7000  }
0x149: {  	[sflag:s4] =	ssyncset.done $0x0  }
0x14a: {  	[sflag:s4] =	ssyncadd.s32 $0xFFFF9000  }
0x14b: {  	[tilespmem:s5], [sflag:$0x3] =	stream.indirect.gather [spmem:s2], $0x80, s20, s11, $0xb8;
	[tilespmem:$0x15F70] =	vst v63  }
0x14c: {  	_ =	swait.ge [sflag:s12], $0x7000  }
0x14d: {  	[sflag:s12] =	ssyncset.done $0x0  }
0x14e: {  	s21 =	rddreg [dreg:$0xb];
	[sflag:s12] =	ssyncadd.s32 $0xFFFF9000  }
0x14f: {  	[hbm4b:s21+s1] =	stream.linear.scatter [tilespmem:s10], [sflag:$0x7], $0x7000, $0x38;
	[tilespmem:$0x15F70] =	vst v63  }
0x150: {  	_ =	swait.ge [sflag:s8], $0x7000  }
0x151: {  	[sflag:s8] =	ssyncset.done $0x0  }
0x152: {  	[sflag:s8] =	ssyncadd.s32 $0xFFFF9000  }
0x153: {  	[tilespmem:s10], [sflag:$0x4] =	stream.indirect.gather [spmem:s2], $0x80, s19, s11, $0xb8;
	[tilespmem:$0x15F70] =	vst v63  }
0x154: {  	_ =	swait.ge [sflag:s9], $0x7000  }
0x155: {  	[sflag:s9] =	ssyncset.done $0x0  }
0x156: {  	s22 =	rddreg [dreg:$0xc];
	[sflag:s9] =	ssyncadd.s32 $0xFFFF9000  }
0x157: {  	[hbm4b:s22+s1] =	stream.linear.scatter [tilespmem:s6], [sflag:$0x5], $0x7000, $0x38;
	[tilespmem:$0x15F70] =	vst v63  }
0x158: {  	_ =	swait.ge [sflag:s3], $0x7000  }
0x159: {  	[sflag:s3] =	ssyncset.done $0x0  }
0x15a: {  	[sflag:s3] =	ssyncadd.s32 $0xFFFF9000  }
0x15b: {  	[tilespmem:s6], [sflag:$0x2] =	stream.indirect.gather [spmem:s2], $0x80, s17, s11, $0xb8;
	[tilespmem:$0x15F70] =	vst v63  }
0x15c: {  	_ =	swait.ge [sflag:s7], $0x7000  }
0x15d: {  	[sflag:s7] =	ssyncset.done $0x0  }
0x15e: {  	s23 =	rddreg [dreg:$0xd];
	[sflag:s7] =	ssyncadd.s32 $0xFFFF9000  }
0x15f: {  	[hbm4b:s23+s1] =	stream.linear.scatter [tilespmem:s5], [sflag:$0x6], $0x7000, $0x38;
	[tilespmem:$0x15F70] =	vst v63  }
0x160: {  	_ =	swait.ge [sflag:s4], $0x7000  }
0x161: {  	[sflag:s4] =	ssyncset.done $0x0  }
0x162: {  	[sflag:s4] =	ssyncadd.s32 $0xFFFF9000  }
0x163: {  	[tilespmem:s5], [sflag:$0x3] =	stream.indirect.gather [spmem:s2], $0x80, s16, s11, $0xb8;
	[tilespmem:$0x15F70] =	vst v63  }
0x164: {  	_ =	swait.ge [sflag:s12], $0x7000  }
0x165: {  	[sflag:s12] =	ssyncset.done $0x0  }
0x166: {  	s24 =	rddreg [dreg:$0xe];
	[sflag:s12] =	ssyncadd.s32 $0xFFFF9000  }
0x167: {  	[hbm4b:s24+s1] =	stream.linear.scatter [tilespmem:s10], [sflag:$0x7], $0x7000, $0x38;
	[tilespmem:$0x15F70] =	vst v63  }
0x168: {  	_ =	swait.ge [sflag:s8], $0x7000  }
0x169: {  	[sflag:s8] =	ssyncset.done $0x0  }
0x16a: {  	[sflag:s8] =	ssyncadd.s32 $0xFFFF9000  }
0x16b: {  	[tilespmem:s10], [sflag:$0x4] =	stream.indirect.gather [spmem:s2], $0x80, s15, s11, $0xb8;
	[tilespmem:$0x15F70] =	vst v63  }
0x16c: {  	_ =	swait.ge [sflag:s9], $0x7000  }
0x16d: {  	[sflag:s9] =	ssyncset.done $0x0  }
0x16e: {  	s25 =	rddreg [dreg:$0xf];
	[sflag:s9] =	ssyncadd.s32 $0xFFFF9000  }
0x16f: {  	[hbm4b:s25+s1] =	stream.linear.scatter [tilespmem:s6], [sflag:$0x5], $0x7000, $0x38;
	[tilespmem:$0x15F70] =	vst v63  }
0x170: {  	_ =	swait.ge [sflag:s3], $0x7000  }
0x171: {  	[sflag:s3] =	ssyncset.done $0x0  }
0x172: {  	[sflag:s3] =	ssyncadd.s32 $0xFFFF9000  }
0x173: {  	[tilespmem:s6], [sflag:$0x2] =	stream.indirect.gather [spmem:s2], $0x80, s14, s11, $0xb8;
	[tilespmem:$0x15F70] =	vst v63  }
0x174: {  	_ =	swait.ge [sflag:s7], $0x7000  }
0x175: {  	[sflag:s7] =	ssyncset.done $0x0  }
0x176: {  	s26 =	rddreg [dreg:$0x10];
	[sflag:s7] =	ssyncadd.s32 $0xFFFF9000  }
0x177: {  	[hbm4b:s26+s1] =	stream.linear.scatter [tilespmem:s5], [sflag:$0x6], $0x7000, $0x38;
	[tilespmem:$0x15F70] =	vst v63  }
0x178: {  	_ =	swait.ge [sflag:s4], $0x7000  }
0x179: {  	[sflag:s4] =	ssyncset.done $0x0  }
0x17a: {  	[sflag:s4] =	ssyncadd.s32 $0xFFFF9000  }
0x17b: {  	[tilespmem:s5], [sflag:$0x3] =	stream.indirect.gather [spmem:s2], $0x80, s13, s11, $0xb8;
	[tilespmem:$0x15F70] =	vst v63  }
0x17c: {  	_ =	swait.ge [sflag:s12], $0x7000  }
0x17d: {  	[sflag:s12] =	ssyncset.done $0x0  }
0x17e: {  	s28 =	rddreg [dreg:$0x11];
	[sflag:s12] =	ssyncadd.s32 $0xFFFF9000  }
0x17f: {  	[hbm4b:s28+s1] =	stream.linear.scatter [tilespmem:s10], [sflag:$0x7], $0x7000, $0x38;
	[tilespmem:$0x15F70] =	vst v63  }
0x180: {  	_ =	swait.ge [sflag:s9], $0x7000  }
0x181: {  	[sflag:s9] =	ssyncset.done $0x0  }
0x182: {  	s29 =	rddreg [dreg:$0x12];
	[sflag:s9] =	ssyncadd.s32 $0xFFFF9000  }
0x183: {  	[hbm4b:s29+s1] =	stream.linear.scatter [tilespmem:s6], [sflag:$0x5], $0x7000, $0x38;
	[tilespmem:$0x15F70] =	vst v63  }
0x184: {  	_ =	swait.ge [sflag:s7], $0x7000  }
0x185: {  	[sflag:s7] =	ssyncset.done $0x0  }
0x186: {  	s31 =	rddreg [dreg:$0x13];
	[sflag:s7] =	ssyncadd.s32 $0xFFFF9000  }
0x187: {  	[hbm4b:s31+s1] =	stream.linear.scatter [tilespmem:s5], [sflag:$0x6], $0x7000, $0x38;
	[tilespmem:$0x15F70] =	vst v63  }
0x188: {  	_ =	swait.ge [sflag:s8], $0x7000  }
0x189: {  	[sflag:s8] =	ssyncset.done $0x0  }
0x18a: {  	[sflag:s8] =	ssyncadd.s32 $0xFFFF9000  }
0x18b: {  	_ =	swait.ge [sflag:s3], $0x7000  }
0x18c: {  	[sflag:s3] =	ssyncset.done $0x0  }
0x18d: {  	[sflag:s3] =	ssyncadd.s32 $0xFFFF9000  }
0x18e: {  	_ =	swait.ge [sflag:s4], $0x7000  }
0x18f: {  	[sflag:s4] =	ssyncset.done $0x0  }
0x190: {  	[sflag:s4] =	ssyncadd.s32 $0xFFFF9000  }
0x191: {  	_ =	sfence.sel $0x180000  }
0x192: {  	[bflag:$0x0] =	sbarrier.arrive $0xFFFF  }
0x193: {  	_ =	strace $0x90000047  }
0x194: {  	s0 =	sadd.s32 @!p0 $0x100000, s30;
	[bflag:$0x2] =	sbarrier.arrive $0xFFFF  }
0x195: {  	[sflag:s0] =	ssyncadd.tile.s32 @!p0 $0x1;
	_ =	shalt  }
.LBB2_2:
.Ltmp3:
0x196: {  	(pc) =	sbr.rel .LBB2_5-.Ltmp3, $2  }
0x197: {  	_ =	sdelay $0x2  }
0x198: {  	s30 =	rddreg [dreg:$0x4]  }
.Lfunc_end2:
_tile_overlayer_lowered:
.L_overlay_start_2:
0x199: {  	(tag) =	ssettag $0x2  }
0x19a: {  	s0 =	rddreg [dreg:$0x0];
	s2 =	stileid.u32  }
0x19b: {  	s1 =	rddreg [dreg:$0x1];
	p0 =	sne.s32 s2, $0x0  }
0x19c: {  	s3 =	rddreg [dreg:$0x2];
	[bflag:$0x3] =	sbarrier.arrive $0xFFFF;
	s2 =	simm.s32 @!p0 $0x1C08  }
0x19d: {  	[timem:s3], [sflag:s2] =	dma.local @!p0 [hbm:s0], s1  }
0x19e: {  	s0 =	simm.s32 @!p0 $0x8  }
0x19f: {  	_ =	swait.ge @!p0 [sflag:s0], s1  }
0x1a0: {  	s1 =	ssub.s32 @!p0 $0x0, s1;
	[sflag:s0] =	ssyncset.done @!p0 $0x0  }
0x1a1: {  	[sflag:s0] =	ssyncadd.s32 @!p0 s1  }
0x1a2: {  	[bflag:$0x3] =	sbarrier.arrive $0xFFFF  }
0x1a3: {  	_ =	shalt  }

</sc_bundles>
